<compile_context>
chip_gen: v7x
topology: tpu7x:2x2x1
jax: 0.10.2.dev20260603
libtpu: 0.0.44.dev20260713+nightly
codegen_flags: <defaults>
</compile_context>

<pallas_src>
import functools

import numpy as np

import jax
import jax.numpy as jnp
from jax import lax
from jax.experimental import pallas as pl
from jax.experimental.pallas import tpu as pltpu
from jax.experimental.pallas import tpu_sc as plsc

NC = 2
NS = 16
LANES = 16


@functools.partial(jax.jit, static_argnums=(3, 4, 5, 6))
def _cp_partials(coords_t, table_t, weights, B, H, V, R):
    assert R == NC * NS
    QB = 4096
    NQ = B // QB
    mesh = plsc.VectorSubcoreMesh(core_axis_name="c", subcore_axis_name="s")

    @functools.partial(
        pl.kernel,
        out_type=jax.ShapeDtypeStruct((R, B), jnp.float32),
        mesh=mesh,
        scratch_types=[
            pltpu.VMEM((V,), jnp.float32),
            pltpu.VMEM((B,), jnp.float32),
            pltpu.VMEM((QB,), jnp.int32),
            pltpu.VMEM((R,), jnp.float32),
        ],
        compiler_params=pltpu.CompilerParams(needs_layout_passes=False),
    )
    def k(ct_hbm, tab_hbm, w_hbm, p_hbm,
          row_v, prod_v, cq_v, w_v):
        def i32(x):
            return lax.convert_element_type(x, jnp.int32)

        c = i32(lax.axis_index("c"))
        s = i32(lax.axis_index("s"))
        r = c * NS + s
        pltpu.sync_copy(w_hbm, w_v)
        w_bc = plsc.load_gather(w_v, [jnp.full((LANES,), r, jnp.int32)])

        def gather_pass(m, first):
            pltpu.sync_copy(tab_hbm.at[m, r], row_v)
            for q in range(NQ):
                pltpu.sync_copy(ct_hbm.at[m, pl.ds(np.int32(q * QB), QB)],
                                cq_v)

                @pl.loop(np.int32(0), np.int32(QB // LANES), unroll=8)
                def _(iv):
                    iv = i32(iv)
                    off = iv * LANES
                    idx = cq_v[pl.ds(off, LANES)]
                    vals = plsc.load_gather(row_v, [idx])
                    pslice = pl.ds(np.int32(q * QB) + off, LANES)
                    if first:
                        prod_v[pslice] = vals * w_bc
                    else:
                        prod_v[pslice] = prod_v[pslice] * vals

        gather_pass(np.int32(0), True)

        @pl.loop(np.int32(1), np.int32(H))
        def _(m):
            gather_pass(i32(m), False)

        pltpu.sync_copy(prod_v, p_hbm.at[r])

    return k(coords_t, table_t, weights)


def _combine(p):
    def k2(p_ref, o_ref):
        o_ref[...] = jnp.sum(p_ref[...], axis=0)

    return pl.pallas_call(
        k2,
        out_shape=jax.ShapeDtypeStruct((p.shape[1],), jnp.float32),
    )(p)


def kernel(coords, factors, weights):
    H, V, R = factors.shape
    B = coords.shape[0]
    coords_t = coords.astype(jnp.int32).T
    table_t = jnp.transpose(factors, (0, 2, 1))
    with jax.enable_x64(False):
        p = _cp_partials(coords_t, table_t, weights.astype(jnp.float32),
                         B, H, V, R)
        return _combine(p)

# --- scband reference (transcript-rebuilt; emitter-appended) ---
"""Pipeline reference for scband-cpregressor-22436909154966 (READ-ONLY COPY).

The authoritative reference and input builder live on the scoring server;
editing this copy changes nothing except your own understanding.
"""

import jax, jax.numpy as jnp
import numpy as np

jax.config.update("jax_enable_x64", True)

V = 100000  # vocab_size
H = 26      # horizon
R = 32      # rank
B = 16384   # batch


def setup_inputs(seed: int = 0) -> dict:
    key = jax.random.key(seed)
    k1, k2 = jax.random.split(key, 2)
    coords = jax.random.randint(k1, (B, H), 0, V, dtype=jnp.int64)
    # Learned parameters: H factor matrices [V, R] stacked into [H, V, R]
    # (init_method='normal': randn(V,R)/R for each factor)
    factors = (jax.random.normal(k2, (H, V, R), dtype=jnp.float32) / R)
    weights = jnp.ones((R,), dtype=jnp.float32)
    return {"coords": coords, "factors": factors, "weights": weights}


def reference(coords, factors, weights):
    # prod = ones(B, R); for m: prod *= factors[m][coords[:, m]]
    prod = jnp.ones((coords.shape[0], factors.shape[2]), dtype=factors.dtype)
    for m in range(factors.shape[0]):
        prod = prod * jnp.take(factors[m], coords[:, m], axis=0)
    return (prod * weights).sum(axis=1)

if __name__ == "__main__":
    import jax
    _d = setup_inputs()
    print(jax.jit(kernel)(*tuple(_d.values())))

</pallas_src>

<mosaic_0001>
#map = affine_map<(d0, d1) -> (0, 0)>
#map1 = affine_map<(d0, d1) -> (0, 0, 0)>
#map2 = affine_map<(d0, d1) -> (0)>
module attributes {stable_mosaic.version = 14 : i64} {
  func.func @k(%arg0: i32, %arg1: i32, %arg2: memref<26x16384xi32, #tpu.memory_space<hbm>>, %arg3: memref<26x32x100000xf32, #tpu.memory_space<hbm>>, %arg4: memref<32xf32, #tpu.memory_space<hbm>>, %arg5: memref<32x16384xf32, #tpu.memory_space<hbm>>, %arg6: memref<100000xf32, #tpu.memory_space<vmem>>, %arg7: memref<16384xf32, #tpu.memory_space<vmem>>, %arg8: memref<4096xi32, #tpu.memory_space<vmem>>, %arg9: memref<32xf32, #tpu.memory_space<vmem>>) attributes {dimension_semantics = [#tpu.dimension_semantics<core_parallel>, #tpu.dimension_semantics<subcore_parallel>], iteration_bounds = array<i64: 2, 16>, scalar_prefetch = 0 : i64, scratch_operands = 4 : i64, tpu.core_type = #tpu.core_type<sc_vector_subcore>, window_params = [{transform_indices = #map}, {transform_indices = #map1}, {transform_indices = #map2}, {transform_indices = #map}]} {
    %mul3A = arith.constant 16 : i32
    %mul3A_0 = arith.muli %arg0, %mul3A : i32
    %add3A = arith.addi %mul3A_0, %arg1 : i32
    "tpu.region"() ({
      %run_scoped3A_29 = tpu.sem_alloc : memref<!tpu.dma_semaphore, #tpu.memory_space<semaphore_mem>>
      tpu.enqueue_dma source(%arg4 : memref<32xf32, #tpu.memory_space<hbm>>) target(%arg9 : memref<32xf32, #tpu.memory_space<vmem>>) target_semaphore(%run_scoped3A_29 : memref<!tpu.dma_semaphore, #tpu.memory_space<semaphore_mem>>)
      tpu.wait_dma2 semaphore(%run_scoped3A_29 : memref<!tpu.dma_semaphore, #tpu.memory_space<semaphore_mem>>) src(%arg4 : memref<32xf32, #tpu.memory_space<hbm>>) dst(%arg9 : memref<32xf32, #tpu.memory_space<vmem>>)
      tpu.yield
    }) : () -> ()
    %broadcast_in_dim3A = vector.broadcast %add3A : i32 to vector<16xi32>
    %gather3A = tpu.vector_load_idx %arg9[%broadcast_in_dim3A] : memref<32xf32, #tpu.memory_space<vmem>>[vector<16xi32>], vector<16xf32>,
    %run_scoped3A = arith.constant 0 : i32
    "tpu.region"() ({
      %run_scoped3A_29 = tpu.sem_alloc : memref<!tpu.dma_semaphore, #tpu.memory_space<semaphore_mem>>
      %dma_start3A = arith.constant 0 : i32
      %dma_start3A_30 = tpu.memref_slice %arg3[%run_scoped3A, %add3A, %dma_start3A] : memref<26x32x100000xf32, #tpu.memory_space<hbm>> -> memref<1x1x100000xf32, #tpu.memory_space<hbm>>
      %dma_start3A_31 = tpu.memref_squeeze %dma_start3A_30 : memref<1x1x100000xf32, #tpu.memory_space<hbm>> -> memref<100000xf32, #tpu.memory_space<hbm>>
      %dma_start3A_32 = arith.constant 0 : i32
      %dma_start3A_33 = tpu.memref_slice %arg3[%run_scoped3A, %add3A, %dma_start3A_32] : memref<26x32x100000xf32, #tpu.memory_space<hbm>> -> memref<1x1x100000xf32, #tpu.memory_space<hbm>>
      %dma_start3A_34 = tpu.memref_squeeze %dma_start3A_33 : memref<1x1x100000xf32, #tpu.memory_space<hbm>> -> memref<100000xf32, #tpu.memory_space<hbm>>
      tpu.enqueue_dma source(%dma_start3A_34 : memref<100000xf32, #tpu.memory_space<hbm>>) target(%arg6 : memref<100000xf32, #tpu.memory_space<vmem>>) target_semaphore(%run_scoped3A_29 : memref<!tpu.dma_semaphore, #tpu.memory_space<semaphore_mem>>)
      %dma_wait3A = arith.constant 0 : i32
      %dma_wait3A_35 = tpu.memref_slice %arg3[%run_scoped3A, %add3A, %dma_wait3A] : memref<26x32x100000xf32, #tpu.memory_space<hbm>> -> memref<1x1x100000xf32, #tpu.memory_space<hbm>>
      %dma_wait3A_36 = tpu.memref_squeeze %dma_wait3A_35 : memref<1x1x100000xf32, #tpu.memory_space<hbm>> -> memref<100000xf32, #tpu.memory_space<hbm>>
      %dma_wait3A_37 = arith.constant 0 : i32
      %dma_wait3A_38 = tpu.memref_slice %arg3[%run_scoped3A, %add3A, %dma_wait3A_37] : memref<26x32x100000xf32, #tpu.memory_space<hbm>> -> memref<1x1x100000xf32, #tpu.memory_space<hbm>>
      %dma_wait3A_39 = tpu.memref_squeeze %dma_wait3A_38 : memref<1x1x100000xf32, #tpu.memory_space<hbm>> -> memref<100000xf32, #tpu.memory_space<hbm>>
      tpu.wait_dma2 semaphore(%run_scoped3A_29 : memref<!tpu.dma_semaphore, #tpu.memory_space<semaphore_mem>>) src(%dma_wait3A_39 : memref<100000xf32, #tpu.memory_space<hbm>>) dst(%arg6 : memref<100000xf32, #tpu.memory_space<vmem>>)
      tpu.yield
    }) : () -> ()
    %run_scoped3A_1 = arith.constant 0 : i32
    "tpu.region"() ({
      %run_scoped3A_29 = tpu.sem_alloc : memref<!tpu.dma_semaphore, #tpu.memory_space<semaphore_mem>>
      %dma_start3A = arith.constant 0 : i32
      %dma_start3A_30 = tpu.memref_slice %arg2[%run_scoped3A_1, %dma_start3A] : memref<26x16384xi32, #tpu.memory_space<hbm>> -> memref<1x4096xi32, #tpu.memory_space<hbm>>
      %dma_start3A_31 = tpu.memref_squeeze %dma_start3A_30 : memref<1x4096xi32, #tpu.memory_space<hbm>> -> memref<4096xi32, #tpu.memory_space<hbm>>
      %dma_start3A_32 = arith.constant 0 : i32
      %dma_start3A_33 = tpu.memref_slice %arg2[%run_scoped3A_1, %dma_start3A_32] : memref<26x16384xi32, #tpu.memory_space<hbm>> -> memref<1x4096xi32, #tpu.memory_space<hbm>>
      %dma_start3A_34 = tpu.memref_squeeze %dma_start3A_33 : memref<1x4096xi32, #tpu.memory_space<hbm>> -> memref<4096xi32, #tpu.memory_space<hbm>>
      tpu.enqueue_dma source(%dma_start3A_34 : memref<4096xi32, #tpu.memory_space<hbm>>) target(%arg8 : memref<4096xi32, #tpu.memory_space<vmem>>) target_semaphore(%run_scoped3A_29 : memref<!tpu.dma_semaphore, #tpu.memory_space<semaphore_mem>>)
      %dma_wait3A = arith.constant 0 : i32
      %dma_wait3A_35 = tpu.memref_slice %arg2[%run_scoped3A_1, %dma_wait3A] : memref<26x16384xi32, #tpu.memory_space<hbm>> -> memref<1x4096xi32, #tpu.memory_space<hbm>>
      %dma_wait3A_36 = tpu.memref_squeeze %dma_wait3A_35 : memref<1x4096xi32, #tpu.memory_space<hbm>> -> memref<4096xi32, #tpu.memory_space<hbm>>
      %dma_wait3A_37 = arith.constant 0 : i32
      %dma_wait3A_38 = tpu.memref_slice %arg2[%run_scoped3A_1, %dma_wait3A_37] : memref<26x16384xi32, #tpu.memory_space<hbm>> -> memref<1x4096xi32, #tpu.memory_space<hbm>>
      %dma_wait3A_39 = tpu.memref_squeeze %dma_wait3A_38 : memref<1x4096xi32, #tpu.memory_space<hbm>> -> memref<4096xi32, #tpu.memory_space<hbm>>
      tpu.wait_dma2 semaphore(%run_scoped3A_29 : memref<!tpu.dma_semaphore, #tpu.memory_space<semaphore_mem>>) src(%dma_wait3A_39 : memref<4096xi32, #tpu.memory_space<hbm>>) dst(%arg8 : memref<4096xi32, #tpu.memory_space<vmem>>)
      tpu.yield
    }) : () -> ()
    %scan3A = arith.constant 0 : i32
    %scan3A_2 = arith.constant 256 : i32
    %scan3A_3 = arith.addi %scan3A, %scan3A_2 : i32
    %scan3A_4 = arith.constant 8 : i32
    scf.for %scan3A_29 = %scan3A to %scan3A_3 step %scan3A_4  : i32 {
      %mul3A_30 = arith.constant 1 : i32
      %mul3A_31 = arith.muli %scan3A_29, %mul3A_30 : i32
      %add3A_32 = arith.constant 0 : i32
      %add3A_33 = arith.addi %add3A_32, %mul3A_31 : i32
      %mul3A_34 = arith.constant 16 : i32
      %mul3A_35 = arith.muli %add3A_33, %mul3A_34 : i32
      %get3A = arith.index_cast %mul3A_35 : i32 to index
      %get3A_36 = tpu.vector_load %arg8[%get3A] {strides = array<i32>} : memref<4096xi32, #tpu.memory_space<vmem>>, vector<16xi32>,
      %gather3A_37 = tpu.vector_load_idx %arg6[%get3A_36] : memref<100000xf32, #tpu.memory_space<vmem>>[vector<16xi32>], vector<16xf32>,
      %add3A_38 = arith.constant 0 : i32
      %add3A_39 = arith.addi %add3A_38, %mul3A_35 : i32
      %mul3A_40 = arith.mulf %gather3A_37, %gather3A : vector<16xf32>
      %swap3A = arith.index_cast %add3A_39 : i32 to index
      %swap3A_41 = tpu.vector_load %arg7[%swap3A] {strides = array<i32>} : memref<16384xf32, #tpu.memory_space<vmem>>, vector<16xf32>,
      tpu.vector_store %arg7[%swap3A], %mul3A_40 {strides = array<i32>} : memref<16384xf32, #tpu.memory_space<vmem>>, vector<16xf32>,
      %scan3A_42 = arith.constant 1 : i32
      %scan3A_43 = arith.addi %scan3A_29, %scan3A_42 : i32
      %mul3A_44 = arith.constant 1 : i32
      %mul3A_45 = arith.muli %scan3A_43, %mul3A_44 : i32
      %add3A_46 = arith.constant 0 : i32
      %add3A_47 = arith.addi %add3A_46, %mul3A_45 : i32
      %mul3A_48 = arith.constant 16 : i32
      %mul3A_49 = arith.muli %add3A_47, %mul3A_48 : i32
      %get3A_50 = arith.index_cast %mul3A_49 : i32 to index
      %get3A_51 = tpu.vector_load %arg8[%get3A_50] {strides = array<i32>} : memref<4096xi32, #tpu.memory_space<vmem>>, vector<16xi32>,
      %gather3A_52 = tpu.vector_load_idx %arg6[%get3A_51] : memref<100000xf32, #tpu.memory_space<vmem>>[vector<16xi32>], vector<16xf32>,
      %add3A_53 = arith.constant 0 : i32
      %add3A_54 = arith.addi %add3A_53, %mul3A_49 : i32
      %mul3A_55 = arith.mulf %gather3A_52, %gather3A : vector<16xf32>
      %swap3A_56 = arith.index_cast %add3A_54 : i32 to index
      %swap3A_57 = tpu.vector_load %arg7[%swap3A_56] {strides = array<i32>} : memref<16384xf32, #tpu.memory_space<vmem>>, vector<16xf32>,
      tpu.vector_store %arg7[%swap3A_56], %mul3A_55 {strides = array<i32>} : memref<16384xf32, #tpu.memory_space<vmem>>, vector<16xf32>,
      %scan3A_58 = arith.constant 2 : i32
      %scan3A_59 = arith.addi %scan3A_29, %scan3A_58 : i32
      %mul3A_60 = arith.constant 1 : i32
      %mul3A_61 = arith.muli %scan3A_59, %mul3A_60 : i32
      %add3A_62 = arith.constant 0 : i32
      %add3A_63 = arith.addi %add3A_62, %mul3A_61 : i32
      %mul3A_64 = arith.constant 16 : i32
      %mul3A_65 = arith.muli %add3A_63, %mul3A_64 : i32
      %get3A_66 = arith.index_cast %mul3A_65 : i32 to index
      %get3A_67 = tpu.vector_load %arg8[%get3A_66] {strides = array<i32>} : memref<4096xi32, #tpu.memory_space<vmem>>, vector<16xi32>,
      %gather3A_68 = tpu.vector_load_idx %arg6[%get3A_67] : memref<100000xf32, #tpu.memory_space<vmem>>[vector<16xi32>], vector<16xf32>,
      %add3A_69 = arith.constant 0 : i32
      %add3A_70 = arith.addi %add3A_69, %mul3A_65 : i32
      %mul3A_71 = arith.mulf %gather3A_68, %gather3A : vector<16xf32>
      %swap3A_72 = arith.index_cast %add3A_70 : i32 to index
      %swap3A_73 = tpu.vector_load %arg7[%swap3A_72] {strides = array<i32>} : memref<16384xf32, #tpu.memory_space<vmem>>, vector<16xf32>,
      tpu.vector_store %arg7[%swap3A_72], %mul3A_71 {strides = array<i32>} : memref<16384xf32, #tpu.memory_space<vmem>>, vector<16xf32>,
      %scan3A_74 = arith.constant 3 : i32
      %scan3A_75 = arith.addi %scan3A_29, %scan3A_74 : i32
      %mul3A_76 = arith.constant 1 : i32
      %mul3A_77 = arith.muli %scan3A_75, %mul3A_76 : i32
      %add3A_78 = arith.constant 0 : i32
      %add3A_79 = arith.addi %add3A_78, %mul3A_77 : i32
      %mul3A_80 = arith.constant 16 : i32
      %mul3A_81 = arith.muli %add3A_79, %mul3A_80 : i32
      %get3A_82 = arith.index_cast %mul3A_81 : i32 to index
      %get3A_83 = tpu.vector_load %arg8[%get3A_82] {strides = array<i32>} : memref<4096xi32, #tpu.memory_space<vmem>>, vector<16xi32>,
      %gather3A_84 = tpu.vector_load_idx %arg6[%get3A_83] : memref<100000xf32, #tpu.memory_space<vmem>>[vector<16xi32>], vector<16xf32>,
      %add3A_85 = arith.constant 0 : i32
      %add3A_86 = arith.addi %add3A_85, %mul3A_81 : i32
      %mul3A_87 = arith.mulf %gather3A_84, %gather3A : vector<16xf32>
      %swap3A_88 = arith.index_cast %add3A_86 : i32 to index
      %swap3A_89 = tpu.vector_load %arg7[%swap3A_88] {strides = array<i32>} : memref<16384xf32, #tpu.memory_space<vmem>>, vector<16xf32>,
      tpu.vector_store %arg7[%swap3A_88], %mul3A_87 {strides = array<i32>} : memref<16384xf32, #tpu.memory_space<vmem>>, vector<16xf32>,
      %scan3A_90 = arith.constant 4 : i32
      %scan3A_91 = arith.addi %scan3A_29, %scan3A_90 : i32
      %mul3A_92 = arith.constant 1 : i32
      %mul3A_93 = arith.muli %scan3A_91, %mul3A_92 : i32
      %add3A_94 = arith.constant 0 : i32
      %add3A_95 = arith.addi %add3A_94, %mul3A_93 : i32
      %mul3A_96 = arith.constant 16 : i32
      %mul3A_97 = arith.muli %add3A_95, %mul3A_96 : i32
      %get3A_98 = arith.index_cast %mul3A_97 : i32 to index
      %get3A_99 = tpu.vector_load %arg8[%get3A_98] {strides = array<i32>} : memref<4096xi32, #tpu.memory_space<vmem>>, vector<16xi32>,
      %gather3A_100 = tpu.vector_load_idx %arg6[%get3A_99] : memref<100000xf32, #tpu.memory_space<vmem>>[vector<16xi32>], vector<16xf32>,
      %add3A_101 = arith.constant 0 : i32
      %add3A_102 = arith.addi %add3A_101, %mul3A_97 : i32
      %mul3A_103 = arith.mulf %gather3A_100, %gather3A : vector<16xf32>
      %swap3A_104 = arith.index_cast %add3A_102 : i32 to index
      %swap3A_105 = tpu.vector_load %arg7[%swap3A_104] {strides = array<i32>} : memref<16384xf32, #tpu.memory_space<vmem>>, vector<16xf32>,
      tpu.vector_store %arg7[%swap3A_104], %mul3A_103 {strides = array<i32>} : memref<16384xf32, #tpu.memory_space<vmem>>, vector<16xf32>,
      %scan3A_106 = arith.constant 5 : i32
      %scan3A_107 = arith.addi %scan3A_29, %scan3A_106 : i32
      %mul3A_108 = arith.constant 1 : i32
      %mul3A_109 = arith.muli %scan3A_107, %mul3A_108 : i32
      %add3A_110 = arith.constant 0 : i32
      %add3A_111 = arith.addi %add3A_110, %mul3A_109 : i32
      %mul3A_112 = arith.constant 16 : i32
      %mul3A_113 = arith.muli %add3A_111, %mul3A_112 : i32
      %get3A_114 = arith.index_cast %mul3A_113 : i32 to index
      %get3A_115 = tpu.vector_load %arg8[%get3A_114] {strides = array<i32>} : memref<4096xi32, #tpu.memory_space<vmem>>, vector<16xi32>,
      %gather3A_116 = tpu.vector_load_idx %arg6[%get3A_115] : memref<100000xf32, #tpu.memory_space<vmem>>[vector<16xi32>], vector<16xf32>,
      %add3A_117 = arith.constant 0 : i32
      %add3A_118 = arith.addi %add3A_117, %mul3A_113 : i32
      %mul3A_119 = arith.mulf %gather3A_116, %gather3A : vector<16xf32>
      %swap3A_120 = arith.index_cast %add3A_118 : i32 to index
      %swap3A_121 = tpu.vector_load %arg7[%swap3A_120] {strides = array<i32>} : memref<16384xf32, #tpu.memory_space<vmem>>, vector<16xf32>,
      tpu.vector_store %arg7[%swap3A_120], %mul3A_119 {strides = array<i32>} : memref<16384xf32, #tpu.memory_space<vmem>>, vector<16xf32>,
      %scan3A_122 = arith.constant 6 : i32
      %scan3A_123 = arith.addi %scan3A_29, %scan3A_122 : i32
      %mul3A_124 = arith.constant 1 : i32
      %mul3A_125 = arith.muli %scan3A_123, %mul3A_124 : i32
      %add3A_126 = arith.constant 0 : i32
      %add3A_127 = arith.addi %add3A_126, %mul3A_125 : i32
      %mul3A_128 = arith.constant 16 : i32
      %mul3A_129 = arith.muli %add3A_127, %mul3A_128 : i32
      %get3A_130 = arith.index_cast %mul3A_129 : i32 to index
      %get3A_131 = tpu.vector_load %arg8[%get3A_130] {strides = array<i32>} : memref<4096xi32, #tpu.memory_space<vmem>>, vector<16xi32>,
      %gather3A_132 = tpu.vector_load_idx %arg6[%get3A_131] : memref<100000xf32, #tpu.memory_space<vmem>>[vector<16xi32>], vector<16xf32>,
      %add3A_133 = arith.constant 0 : i32
      %add3A_134 = arith.addi %add3A_133, %mul3A_129 : i32
      %mul3A_135 = arith.mulf %gather3A_132, %gather3A : vector<16xf32>
      %swap3A_136 = arith.index_cast %add3A_134 : i32 to index
      %swap3A_137 = tpu.vector_load %arg7[%swap3A_136] {strides = array<i32>} : memref<16384xf32, #tpu.memory_space<vmem>>, vector<16xf32>,
      tpu.vector_store %arg7[%swap3A_136], %mul3A_135 {strides = array<i32>} : memref<16384xf32, #tpu.memory_space<vmem>>, vector<16xf32>,
      %scan3A_138 = arith.constant 7 : i32
      %scan3A_139 = arith.addi %scan3A_29, %scan3A_138 : i32
      %mul3A_140 = arith.constant 1 : i32
      %mul3A_141 = arith.muli %scan3A_139, %mul3A_140 : i32
      %add3A_142 = arith.constant 0 : i32
      %add3A_143 = arith.addi %add3A_142, %mul3A_141 : i32
      %mul3A_144 = arith.constant 16 : i32
      %mul3A_145 = arith.muli %add3A_143, %mul3A_144 : i32
      %get3A_146 = arith.index_cast %mul3A_145 : i32 to index
      %get3A_147 = tpu.vector_load %arg8[%get3A_146] {strides = array<i32>} : memref<4096xi32, #tpu.memory_space<vmem>>, vector<16xi32>,
      %gather3A_148 = tpu.vector_load_idx %arg6[%get3A_147] : memref<100000xf32, #tpu.memory_space<vmem>>[vector<16xi32>], vector<16xf32>,
      %add3A_149 = arith.constant 0 : i32
      %add3A_150 = arith.addi %add3A_149, %mul3A_145 : i32
      %mul3A_151 = arith.mulf %gather3A_148, %gather3A : vector<16xf32>
      %swap3A_152 = arith.index_cast %add3A_150 : i32 to index
      %swap3A_153 = tpu.vector_load %arg7[%swap3A_152] {strides = array<i32>} : memref<16384xf32, #tpu.memory_space<vmem>>, vector<16xf32>,
      tpu.vector_store %arg7[%swap3A_152], %mul3A_151 {strides = array<i32>} : memref<16384xf32, #tpu.memory_space<vmem>>, vector<16xf32>,
    }
    %scan3A_5 = arith.constant 256 : i32
    %run_scoped3A_6 = arith.constant 0 : i32
    "tpu.region"() ({
      %run_scoped3A_29 = tpu.sem_alloc : memref<!tpu.dma_semaphore, #tpu.memory_space<semaphore_mem>>
      %dma_start3A = arith.constant 4096 : i32
      %dma_start3A_30 = tpu.memref_slice %arg2[%run_scoped3A_6, %dma_start3A] : memref<26x16384xi32, #tpu.memory_space<hbm>> -> memref<1x4096xi32, #tpu.memory_space<hbm>>
      %dma_start3A_31 = tpu.memref_squeeze %dma_start3A_30 : memref<1x4096xi32, #tpu.memory_space<hbm>> -> memref<4096xi32, #tpu.memory_space<hbm>>
      %dma_start3A_32 = arith.constant 4096 : i32
      %dma_start3A_33 = tpu.memref_slice %arg2[%run_scoped3A_6, %dma_start3A_32] : memref<26x16384xi32, #tpu.memory_space<hbm>> -> memref<1x4096xi32, #tpu.memory_space<hbm>>
      %dma_start3A_34 = tpu.memref_squeeze %dma_start3A_33 : memref<1x4096xi32, #tpu.memory_space<hbm>> -> memref<4096xi32, #tpu.memory_space<hbm>>
      tpu.enqueue_dma source(%dma_start3A_34 : memref<4096xi32, #tpu.memory_space<hbm>>) target(%arg8 : memref<4096xi32, #tpu.memory_space<vmem>>) target_semaphore(%run_scoped3A_29 : memref<!tpu.dma_semaphore, #tpu.memory_space<semaphore_mem>>)
      %dma_wait3A = arith.constant 4096 : i32
      %dma_wait3A_35 = tpu.memref_slice %arg2[%run_scoped3A_6, %dma_wait3A] : memref<26x16384xi32, #tpu.memory_space<hbm>> -> memref<1x4096xi32, #tpu.memory_space<hbm>>
      %dma_wait3A_36 = tpu.memref_squeeze %dma_wait3A_35 : memref<1x4096xi32, #tpu.memory_space<hbm>> -> memref<4096xi32, #tpu.memory_space<hbm>>
      %dma_wait3A_37 = arith.constant 4096 : i32
      %dma_wait3A_38 = tpu.memref_slice %arg2[%run_scoped3A_6, %dma_wait3A_37] : memref<26x16384xi32, #tpu.memory_space<hbm>> -> memref<1x4096xi32, #tpu.memory_space<hbm>>
      %dma_wait3A_39 = tpu.memref_squeeze %dma_wait3A_38 : memref<1x4096xi32, #tpu.memory_space<hbm>> -> memref<4096xi32, #tpu.memory_space<hbm>>
      tpu.wait_dma2 semaphore(%run_scoped3A_29 : memref<!tpu.dma_semaphore, #tpu.memory_space<semaphore_mem>>) src(%dma_wait3A_39 : memref<4096xi32, #tpu.memory_space<hbm>>) dst(%arg8 : memref<4096xi32, #tpu.memory_space<vmem>>)
      tpu.yield
    }) : () -> ()
    %scan3A_7 = arith.constant 0 : i32
    %scan3A_8 = arith.constant 256 : i32
    %scan3A_9 = arith.addi %scan3A_7, %scan3A_8 : i32
    %scan3A_10 = arith.constant 8 : i32
    scf.for %scan3A_29 = %scan3A_7 to %scan3A_9 step %scan3A_10  : i32 {
      %mul3A_30 = arith.constant 1 : i32
      %mul3A_31 = arith.muli %scan3A_29, %mul3A_30 : i32
      %add3A_32 = arith.constant 0 : i32
      %add3A_33 = arith.addi %add3A_32, %mul3A_31 : i32
      %mul3A_34 = arith.constant 16 : i32
      %mul3A_35 = arith.muli %add3A_33, %mul3A_34 : i32
      %get3A = arith.index_cast %mul3A_35 : i32 to index
      %get3A_36 = tpu.vector_load %arg8[%get3A] {strides = array<i32>} : memref<4096xi32, #tpu.memory_space<vmem>>, vector<16xi32>,
      %gather3A_37 = tpu.vector_load_idx %arg6[%get3A_36] : memref<100000xf32, #tpu.memory_space<vmem>>[vector<16xi32>], vector<16xf32>,
      %add3A_38 = arith.constant 4096 : i32
      %add3A_39 = arith.addi %add3A_38, %mul3A_35 : i32
      %mul3A_40 = arith.mulf %gather3A_37, %gather3A : vector<16xf32>
      %swap3A = arith.index_cast %add3A_39 : i32 to index
      %swap3A_41 = tpu.vector_load %arg7[%swap3A] {strides = array<i32>} : memref<16384xf32, #tpu.memory_space<vmem>>, vector<16xf32>,
      tpu.vector_store %arg7[%swap3A], %mul3A_40 {strides = array<i32>} : memref<16384xf32, #tpu.memory_space<vmem>>, vector<16xf32>,
      %scan3A_42 = arith.constant 1 : i32
      %scan3A_43 = arith.addi %scan3A_29, %scan3A_42 : i32
      %mul3A_44 = arith.constant 1 : i32
      %mul3A_45 = arith.muli %scan3A_43, %mul3A_44 : i32
      %add3A_46 = arith.constant 0 : i32
      %add3A_47 = arith.addi %add3A_46, %mul3A_45 : i32
      %mul3A_48 = arith.constant 16 : i32
      %mul3A_49 = arith.muli %add3A_47, %mul3A_48 : i32
      %get3A_50 = arith.index_cast %mul3A_49 : i32 to index
      %get3A_51 = tpu.vector_load %arg8[%get3A_50] {strides = array<i32>} : memref<4096xi32, #tpu.memory_space<vmem>>, vector<16xi32>,
      %gather3A_52 = tpu.vector_load_idx %arg6[%get3A_51] : memref<100000xf32, #tpu.memory_space<vmem>>[vector<16xi32>], vector<16xf32>,
      %add3A_53 = arith.constant 4096 : i32
      %add3A_54 = arith.addi %add3A_53, %mul3A_49 : i32
      %mul3A_55 = arith.mulf %gather3A_52, %gather3A : vector<16xf32>
      %swap3A_56 = arith.index_cast %add3A_54 : i32 to index
      %swap3A_57 = tpu.vector_load %arg7[%swap3A_56] {strides = array<i32>} : memref<16384xf32, #tpu.memory_space<vmem>>, vector<16xf32>,
      tpu.vector_store %arg7[%swap3A_56], %mul3A_55 {strides = array<i32>} : memref<16384xf32, #tpu.memory_space<vmem>>, vector<16xf32>,
      %scan3A_58 = arith.constant 2 : i32
      %scan3A_59 = arith.addi %scan3A_29, %scan3A_58 : i32
      %mul3A_60 = arith.constant 1 : i32
      %mul3A_61 = arith.muli %scan3A_59, %mul3A_60 : i32
      %add3A_62 = arith.constant 0 : i32
      %add3A_63 = arith.addi %add3A_62, %mul3A_61 : i32
      %mul3A_64 = arith.constant 16 : i32
      %mul3A_65 = arith.muli %add3A_63, %mul3A_64 : i32
      %get3A_66 = arith.index_cast %mul3A_65 : i32 to index
      %get3A_67 = tpu.vector_load %arg8[%get3A_66] {strides = array<i32>} : memref<4096xi32, #tpu.memory_space<vmem>>, vector<16xi32>,
      %gather3A_68 = tpu.vector_load_idx %arg6[%get3A_67] : memref<100000xf32, #tpu.memory_space<vmem>>[vector<16xi32>], vector<16xf32>,
      %add3A_69 = arith.constant 4096 : i32
      %add3A_70 = arith.addi %add3A_69, %mul3A_65 : i32
      %mul3A_71 = arith.mulf %gather3A_68, %gather3A : vector<16xf32>
      %swap3A_72 = arith.index_cast %add3A_70 : i32 to index
      %swap3A_73 = tpu.vector_load %arg7[%swap3A_72] {strides = array<i32>} : memref<16384xf32, #tpu.memory_space<vmem>>, vector<16xf32>,
      tpu.vector_store %arg7[%swap3A_72], %mul3A_71 {strides = array<i32>} : memref<16384xf32, #tpu.memory_space<vmem>>, vector<16xf32>,
      %scan3A_74 = arith.constant 3 : i32
      %scan3A_75 = arith.addi %scan3A_29, %scan3A_74 : i32
      %mul3A_76 = arith.constant 1 : i32
      %mul3A_77 = arith.muli %scan3A_75, %mul3A_76 : i32
      %add3A_78 = arith.constant 0 : i32
      %add3A_79 = arith.addi %add3A_78, %mul3A_77 : i32
      %mul3A_80 = arith.constant 16 : i32
      %mul3A_81 = arith.muli %add3A_79, %mul3A_80 : i32
      %get3A_82 = arith.index_cast %mul3A_81 : i32 to index
      %get3A_83 = tpu.vector_load %arg8[%get3A_82] {strides = array<i32>} : memref<4096xi32, #tpu.memory_space<vmem>>, vector<16xi32>,
      %gather3A_84 = tpu.vector_load_idx %arg6[%get3A_83] : memref<100000xf32, #tpu.memory_space<vmem>>[vector<16xi32>], vector<16xf32>,
      %add3A_85 = arith.constant 4096 : i32
      %add3A_86 = arith.addi %add3A_85, %mul3A_81 : i32
      %mul3A_87 = arith.mulf %gather3A_84, %gather3A : vector<16xf32>
      %swap3A_88 = arith.index_cast %add3A_86 : i32 to index
      %swap3A_89 = tpu.vector_load %arg7[%swap3A_88] {strides = array<i32>} : memref<16384xf32, #tpu.memory_space<vmem>>, vector<16xf32>,
      tpu.vector_store %arg7[%swap3A_88], %mul3A_87 {strides = array<i32>} : memref<16384xf32, #tpu.memory_space<vmem>>, vector<16xf32>,
      %scan3A_90 = arith.constant 4 : i32
      %scan3A_91 = arith.addi %scan3A_29, %scan3A_90 : i32
      %mul3A_92 = arith.constant 1 : i32
      %mul3A_93 = arith.muli %scan3A_91, %mul3A_92 : i32
      %add3A_94 = arith.constant 0 : i32
      %add3A_95 = arith.addi %add3A_94, %mul3A_93 : i32
      %mul3A_96 = arith.constant 16 : i32
      %mul3A_97 = arith.muli %add3A_95, %mul3A_96 : i32
      %get3A_98 = arith.index_cast %mul3A_97 : i32 to index
      %get3A_99 = tpu.vector_load %arg8[%get3A_98] {strides = array<i32>} : memref<4096xi32, #tpu.memory_space<vmem>>, vector<16xi32>,
      %gather3A_100 = tpu.vector_load_idx %arg6[%get3A_99] : memref<100000xf32, #tpu.memory_space<vmem>>[vector<16xi32>], vector<16xf32>,
      %add3A_101 = arith.constant 4096 : i32
      %add3A_102 = arith.addi %add3A_101, %mul3A_97 : i32
      %mul3A_103 = arith.mulf %gather3A_100, %gather3A : vector<16xf32>
      %swap3A_104 = arith.index_cast %add3A_102 : i32 to index
      %swap3A_105 = tpu.vector_load %arg7[%swap3A_104] {strides = array<i32>} : memref<16384xf32, #tpu.memory_space<vmem>>, vector<16xf32>,
      tpu.vector_store %arg7[%swap3A_104], %mul3A_103 {strides = array<i32>} : memref<16384xf32, #tpu.memory_space<vmem>>, vector<16xf32>,
      %scan3A_106 = arith.constant 5 : i32
      %scan3A_107 = arith.addi %scan3A_29, %scan3A_106 : i32
      %mul3A_108 = arith.constant 1 : i32
      %mul3A_109 = arith.muli %scan3A_107, %mul3A_108 : i32
      %add3A_110 = arith.constant 0 : i32
      %add3A_111 = arith.addi %add3A_110, %mul3A_109 : i32
      %mul3A_112 = arith.constant 16 : i32
      %mul3A_113 = arith.muli %add3A_111, %mul3A_112 : i32
      %get3A_114 = arith.index_cast %mul3A_113 : i32 to index
      %get3A_115 = tpu.vector_load %arg8[%get3A_114] {strides = array<i32>} : memref<4096xi32, #tpu.memory_space<vmem>>, vector<16xi32>,
      %gather3A_116 = tpu.vector_load_idx %arg6[%get3A_115] : memref<100000xf32, #tpu.memory_space<vmem>>[vector<16xi32>], vector<16xf32>,
      %add3A_117 = arith.constant 4096 : i32
      %add3A_118 = arith.addi %add3A_117, %mul3A_113 : i32
      %mul3A_119 = arith.mulf %gather3A_116, %gather3A : vector<16xf32>
      %swap3A_120 = arith.index_cast %add3A_118 : i32 to index
      %swap3A_121 = tpu.vector_load %arg7[%swap3A_120] {strides = array<i32>} : memref<16384xf32, #tpu.memory_space<vmem>>, vector<16xf32>,
      tpu.vector_store %arg7[%swap3A_120], %mul3A_119 {strides = array<i32>} : memref<16384xf32, #tpu.memory_space<vmem>>, vector<16xf32>,
      %scan3A_122 = arith.constant 6 : i32
      %scan3A_123 = arith.addi %scan3A_29, %scan3A_122 : i32
      %mul3A_124 = arith.constant 1 : i32
      %mul3A_125 = arith.muli %scan3A_123, %mul3A_124 : i32
      %add3A_126 = arith.constant 0 : i32
      %add3A_127 = arith.addi %add3A_126, %mul3A_125 : i32
      %mul3A_128 = arith.constant 16 : i32
      %mul3A_129 = arith.muli %add3A_127, %mul3A_128 : i32
      %get3A_130 = arith.index_cast %mul3A_129 : i32 to index
      %get3A_131 = tpu.vector_load %arg8[%get3A_130] {strides = array<i32>} : memref<4096xi32, #tpu.memory_space<vmem>>, vector<16xi32>,
      %gather3A_132 = tpu.vector_load_idx %arg6[%get3A_131] : memref<100000xf32, #tpu.memory_space<vmem>>[vector<16xi32>], vector<16xf32>,
      %add3A_133 = arith.constant 4096 : i32
      %add3A_134 = arith.addi %add3A_133, %mul3A_129 : i32
      %mul3A_135 = arith.mulf %gather3A_132, %gather3A : vector<16xf32>
      %swap3A_136 = arith.index_cast %add3A_134 : i32 to index
      %swap3A_137 = tpu.vector_load %arg7[%swap3A_136] {strides = array<i32>} : memref<16384xf32, #tpu.memory_space<vmem>>, vector<16xf32>,
      tpu.vector_store %arg7[%swap3A_136], %mul3A_135 {strides = array<i32>} : memref<16384xf32, #tpu.memory_space<vmem>>, vector<16xf32>,
      %scan3A_138 = arith.constant 7 : i32
      %scan3A_139 = arith.addi %scan3A_29, %scan3A_138 : i32
      %mul3A_140 = arith.constant 1 : i32
      %mul3A_141 = arith.muli %scan3A_139, %mul3A_140 : i32
      %add3A_142 = arith.constant 0 : i32
      %add3A_143 = arith.addi %add3A_142, %mul3A_141 : i32
      %mul3A_144 = arith.constant 16 : i32
      %mul3A_145 = arith.muli %add3A_143, %mul3A_144 : i32
      %get3A_146 = arith.index_cast %mul3A_145 : i32 to index
      %get3A_147 = tpu.vector_load %arg8[%get3A_146] {strides = array<i32>} : memref<4096xi32, #tpu.memory_space<vmem>>, vector<16xi32>,
      %gather3A_148 = tpu.vector_load_idx %arg6[%get3A_147] : memref<100000xf32, #tpu.memory_space<vmem>>[vector<16xi32>], vector<16xf32>,
      %add3A_149 = arith.constant 4096 : i32
      %add3A_150 = arith.addi %add3A_149, %mul3A_145 : i32
      %mul3A_151 = arith.mulf %gather3A_148, %gather3A : vector<16xf32>
      %swap3A_152 = arith.index_cast %add3A_150 : i32 to index
      %swap3A_153 = tpu.vector_load %arg7[%swap3A_152] {strides = array<i32>} : memref<16384xf32, #tpu.memory_space<vmem>>, vector<16xf32>,
      tpu.vector_store %arg7[%swap3A_152], %mul3A_151 {strides = array<i32>} : memref<16384xf32, #tpu.memory_space<vmem>>, vector<16xf32>,
    }
    %scan3A_11 = arith.constant 256 : i32
    %run_scoped3A_12 = arith.constant 0 : i32
    "tpu.region"() ({
      %run_scoped3A_29 = tpu.sem_alloc : memref<!tpu.dma_semaphore, #tpu.memory_space<semaphore_mem>>
      %dma_start3A = arith.constant 8192 : i32
      %dma_start3A_30 = tpu.memref_slice %arg2[%run_scoped3A_12, %dma_start3A] : memref<26x16384xi32, #tpu.memory_space<hbm>> -> memref<1x4096xi32, #tpu.memory_space<hbm>>
      %dma_start3A_31 = tpu.memref_squeeze %dma_start3A_30 : memref<1x4096xi32, #tpu.memory_space<hbm>> -> memref<4096xi32, #tpu.memory_space<hbm>>
      %dma_start3A_32 = arith.constant 8192 : i32
      %dma_start3A_33 = tpu.memref_slice %arg2[%run_scoped3A_12, %dma_start3A_32] : memref<26x16384xi32, #tpu.memory_space<hbm>> -> memref<1x4096xi32, #tpu.memory_space<hbm>>
      %dma_start3A_34 = tpu.memref_squeeze %dma_start3A_33 : memref<1x4096xi32, #tpu.memory_space<hbm>> -> memref<4096xi32, #tpu.memory_space<hbm>>
      tpu.enqueue_dma source(%dma_start3A_34 : memref<4096xi32, #tpu.memory_space<hbm>>) target(%arg8 : memref<4096xi32, #tpu.memory_space<vmem>>) target_semaphore(%run_scoped3A_29 : memref<!tpu.dma_semaphore, #tpu.memory_space<semaphore_mem>>)
      %dma_wait3A = arith.constant 8192 : i32
      %dma_wait3A_35 = tpu.memref_slice %arg2[%run_scoped3A_12, %dma_wait3A] : memref<26x16384xi32, #tpu.memory_space<hbm>> -> memref<1x4096xi32, #tpu.memory_space<hbm>>
      %dma_wait3A_36 = tpu.memref_squeeze %dma_wait3A_35 : memref<1x4096xi32, #tpu.memory_space<hbm>> -> memref<4096xi32, #tpu.memory_space<hbm>>
      %dma_wait3A_37 = arith.constant 8192 : i32
      %dma_wait3A_38 = tpu.memref_slice %arg2[%run_scoped3A_12, %dma_wait3A_37] : memref<26x16384xi32, #tpu.memory_space<hbm>> -> memref<1x4096xi32, #tpu.memory_space<hbm>>
      %dma_wait3A_39 = tpu.memref_squeeze %dma_wait3A_38 : memref<1x4096xi32, #tpu.memory_space<hbm>> -> memref<4096xi32, #tpu.memory_space<hbm>>
      tpu.wait_dma2 semaphore(%run_scoped3A_29 : memref<!tpu.dma_semaphore, #tpu.memory_space<semaphore_mem>>) src(%dma_wait3A_39 : memref<4096xi32, #tpu.memory_space<hbm>>) dst(%arg8 : memref<4096xi32, #tpu.memory_space<vmem>>)
      tpu.yield
    }) : () -> ()
    %scan3A_13 = arith.constant 0 : i32
    %scan3A_14 = arith.constant 256 : i32
    %scan3A_15 = arith.addi %scan3A_13, %scan3A_14 : i32
    %scan3A_16 = arith.constant 8 : i32
    scf.for %scan3A_29 = %scan3A_13 to %scan3A_15 step %scan3A_16  : i32 {
      %mul3A_30 = arith.constant 1 : i32
      %mul3A_31 = arith.muli %scan3A_29, %mul3A_30 : i32
      %add3A_32 = arith.constant 0 : i32
      %add3A_33 = arith.addi %add3A_32, %mul3A_31 : i32
      %mul3A_34 = arith.constant 16 : i32
      %mul3A_35 = arith.muli %add3A_33, %mul3A_34 : i32
      %get3A = arith.index_cast %mul3A_35 : i32 to index
      %get3A_36 = tpu.vector_load %arg8[%get3A] {strides = array<i32>} : memref<4096xi32, #tpu.memory_space<vmem>>, vector<16xi32>,
      %gather3A_37 = tpu.vector_load_idx %arg6[%get3A_36] : memref<100000xf32, #tpu.memory_space<vmem>>[vector<16xi32>], vector<16xf32>,
      %add3A_38 = arith.constant 8192 : i32
      %add3A_39 = arith.addi %add3A_38, %mul3A_35 : i32
      %mul3A_40 = arith.mulf %gather3A_37, %gather3A : vector<16xf32>
      %swap3A = arith.index_cast %add3A_39 : i32 to index
      %swap3A_41 = tpu.vector_load %arg7[%swap3A] {strides = array<i32>} : memref<16384xf32, #tpu.memory_space<vmem>>, vector<16xf32>,
      tpu.vector_store %arg7[%swap3A], %mul3A_40 {strides = array<i32>} : memref<16384xf32, #tpu.memory_space<vmem>>, vector<16xf32>,
      %scan3A_42 = arith.constant 1 : i32
      %scan3A_43 = arith.addi %scan3A_29, %scan3A_42 : i32
      %mul3A_44 = arith.constant 1 : i32
      %mul3A_45 = arith.muli %scan3A_43, %mul3A_44 : i32
      %add3A_46 = arith.constant 0 : i32
      %add3A_47 = arith.addi %add3A_46, %mul3A_45 : i32
      %mul3A_48 = arith.constant 16 : i32
      %mul3A_49 = arith.muli %add3A_47, %mul3A_48 : i32
      %get3A_50 = arith.index_cast %mul3A_49 : i32 to index
      %get3A_51 = tpu.vector_load %arg8[%get3A_50] {strides = array<i32>} : memref<4096xi32, #tpu.memory_space<vmem>>, vector<16xi32>,
      %gather3A_52 = tpu.vector_load_idx %arg6[%get3A_51] : memref<100000xf32, #tpu.memory_space<vmem>>[vector<16xi32>], vector<16xf32>,
      %add3A_53 = arith.constant 8192 : i32
      %add3A_54 = arith.addi %add3A_53, %mul3A_49 : i32
      %mul3A_55 = arith.mulf %gather3A_52, %gather3A : vector<16xf32>
      %swap3A_56 = arith.index_cast %add3A_54 : i32 to index
      %swap3A_57 = tpu.vector_load %arg7[%swap3A_56] {strides = array<i32>} : memref<16384xf32, #tpu.memory_space<vmem>>, vector<16xf32>,
      tpu.vector_store %arg7[%swap3A_56], %mul3A_55 {strides = array<i32>} : memref<16384xf32, #tpu.memory_space<vmem>>, vector<16xf32>,
      %scan3A_58 = arith.constant 2 : i32
      %scan3A_59 = arith.addi %scan3A_29, %scan3A_58 : i32
      %mul3A_60 = arith.constant 1 : i32
      %mul3A_61 = arith.muli %scan3A_59, %mul3A_60 : i32
      %add3A_62 = arith.constant 0 : i32
      %add3A_63 = arith.addi %add3A_62, %mul3A_61 : i32
      %mul3A_64 = arith.constant 16 : i32
      %mul3A_65 = arith.muli %add3A_63, %mul3A_64 : i32
      %get3A_66 = arith.index_cast %mul3A_65 : i32 to index
      %get3A_67 = tpu.vector_load %arg8[%get3A_66] {strides = array<i32>} : memref<4096xi32, #tpu.memory_space<vmem>>, vector<16xi32>,
      %gather3A_68 = tpu.vector_load_idx %arg6[%get3A_67] : memref<100000xf32, #tpu.memory_space<vmem>>[vector<16xi32>], vector<16xf32>,
      %add3A_69 = arith.constant 8192 : i32
      %add3A_70 = arith.addi %add3A_69, %mul3A_65 : i32
      %mul3A_71 = arith.mulf %gather3A_68, %gather3A : vector<16xf32>
      %swap3A_72 = arith.index_cast %add3A_70 : i32 to index
      %swap3A_73 = tpu.vector_load %arg7[%swap3A_72] {strides = array<i32>} : memref<16384xf32, #tpu.memory_space<vmem>>, vector<16xf32>,
      tpu.vector_store %arg7[%swap3A_72], %mul3A_71 {strides = array<i32>} : memref<16384xf32, #tpu.memory_space<vmem>>, vector<16xf32>,
      %scan3A_74 = arith.constant 3 : i32
      %scan3A_75 = arith.addi %scan3A_29, %scan3A_74 : i32
      %mul3A_76 = arith.constant 1 : i32
      %mul3A_77 = arith.muli %scan3A_75, %mul3A_76 : i32
      %add3A_78 = arith.constant 0 : i32
      %add3A_79 = arith.addi %add3A_78, %mul3A_77 : i32
      %mul3A_80 = arith.constant 16 : i32
      %mul3A_81 = arith.muli %add3A_79, %mul3A_80 : i32
      %get3A_82 = arith.index_cast %mul3A_81 : i32 to index
      %get3A_83 = tpu.vector_load %arg8[%get3A_82] {strides = array<i32>} : memref<4096xi32, #tpu.memory_space<vmem>>, vector<16xi32>,
      %gather3A_84 = tpu.vector_load_idx %arg6[%get3A_83] : memref<100000xf32, #tpu.memory_space<vmem>>[vector<16xi32>], vector<16xf32>,
      %add3A_85 = arith.constant 8192 : i32
      %add3A_86 = arith.addi %add3A_85, %mul3A_81 : i32
      %mul3A_87 = arith.mulf %gather3A_84, %gather3A : vector<16xf32>
      %swap3A_88 = arith.index_cast %add3A_86 : i32 to index
      %swap3A_89 = tpu.vector_load %arg7[%swap3A_88] {strides = array<i32>} : memref<16384xf32, #tpu.memory_space<vmem>>, vector<16xf32>,
      tpu.vector_store %arg7[%swap3A_88], %mul3A_87 {strides = array<i32>} : memref<16384xf32, #tpu.memory_space<vmem>>, vector<16xf32>,
      %scan3A_90 = arith.constant 4 : i32
      %scan3A_91 = arith.addi %scan3A_29, %scan3A_90 : i32
      %mul3A_92 = arith.constant 1 : i32
      %mul3A_93 = arith.muli %scan3A_91, %mul3A_92 : i32
      %add3A_94 = arith.constant 0 : i32
      %add3A_95 = arith.addi %add3A_94, %mul3A_93 : i32
      %mul3A_96 = arith.constant 16 : i32
      %mul3A_97 = arith.muli %add3A_95, %mul3A_96 : i32
      %get3A_98 = arith.index_cast %mul3A_97 : i32 to index
      %get3A_99 = tpu.vector_load %arg8[%get3A_98] {strides = array<i32>} : memref<4096xi32, #tpu.memory_space<vmem>>, vector<16xi32>,
      %gather3A_100 = tpu.vector_load_idx %arg6[%get3A_99] : memref<100000xf32, #tpu.memory_space<vmem>>[vector<16xi32>], vector<16xf32>,
      %add3A_101 = arith.constant 8192 : i32
      %add3A_102 = arith.addi %add3A_101, %mul3A_97 : i32
      %mul3A_103 = arith.mulf %gather3A_100, %gather3A : vector<16xf32>
      %swap3A_104 = arith.index_cast %add3A_102 : i32 to index
      %swap3A_105 = tpu.vector_load %arg7[%swap3A_104] {strides = array<i32>} : memref<16384xf32, #tpu.memory_space<vmem>>, vector<16xf32>,
      tpu.vector_store %arg7[%swap3A_104], %mul3A_103 {strides = array<i32>} : memref<16384xf32, #tpu.memory_space<vmem>>, vector<16xf32>,
      %scan3A_106 = arith.constant 5 : i32
      %scan3A_107 = arith.addi %scan3A_29, %scan3A_106 : i32
      %mul3A_108 = arith.constant 1 : i32
      %mul3A_109 = arith.muli %scan3A_107, %mul3A_108 : i32
      %add3A_110 = arith.constant 0 : i32
      %add3A_111 = arith.addi %add3A_110, %mul3A_109 : i32
      %mul3A_112 = arith.constant 16 : i32
      %mul3A_113 = arith.muli %add3A_111, %mul3A_112 : i32
      %get3A_114 = arith.index_cast %mul3A_113 : i32 to index
      %get3A_115 = tpu.vector_load %arg8[%get3A_114] {strides = array<i32>} : memref<4096xi32, #tpu.memory_space<vmem>>, vector<16xi32>,
      %gather3A_116 = tpu.vector_load_idx %arg6[%get3A_115] : memref<100000xf32, #tpu.memory_space<vmem>>[vector<16xi32>], vector<16xf32>,
      %add3A_117 = arith.constant 8192 : i32
      %add3A_118 = arith.addi %add3A_117, %mul3A_113 : i32
      %mul3A_119 = arith.mulf %gather3A_116, %gather3A : vector<16xf32>
      %swap3A_120 = arith.index_cast %add3A_118 : i32 to index
      %swap3A_121 = tpu.vector_load %arg7[%swap3A_120] {strides = array<i32>} : memref<16384xf32, #tpu.memory_space<vmem>>, vector<16xf32>,
      tpu.vector_store %arg7[%swap3A_120], %mul3A_119 {strides = array<i32>} : memref<16384xf32, #tpu.memory_space<vmem>>, vector<16xf32>,
      %scan3A_122 = arith.constant 6 : i32
      %scan3A_123 = arith.addi %scan3A_29, %scan3A_122 : i32
      %mul3A_124 = arith.constant 1 : i32
      %mul3A_125 = arith.muli %scan3A_123, %mul3A_124 : i32
      %add3A_126 = arith.constant 0 : i32
      %add3A_127 = arith.addi %add3A_126, %mul3A_125 : i32
      %mul3A_128 = arith.constant 16 : i32
      %mul3A_129 = arith.muli %add3A_127, %mul3A_128 : i32
      %get3A_130 = arith.index_cast %mul3A_129 : i32 to index
      %get3A_131 = tpu.vector_load %arg8[%get3A_130] {strides = array<i32>} : memref<4096xi32, #tpu.memory_space<vmem>>, vector<16xi32>,
      %gather3A_132 = tpu.vector_load_idx %arg6[%get3A_131] : memref<100000xf32, #tpu.memory_space<vmem>>[vector<16xi32>], vector<16xf32>,
      %add3A_133 = arith.constant 8192 : i32
      %add3A_134 = arith.addi %add3A_133, %mul3A_129 : i32
      %mul3A_135 = arith.mulf %gather3A_132, %gather3A : vector<16xf32>
      %swap3A_136 = arith.index_cast %add3A_134 : i32 to index
      %swap3A_137 = tpu.vector_load %arg7[%swap3A_136] {strides = array<i32>} : memref<16384xf32, #tpu.memory_space<vmem>>, vector<16xf32>,
      tpu.vector_store %arg7[%swap3A_136], %mul3A_135 {strides = array<i32>} : memref<16384xf32, #tpu.memory_space<vmem>>, vector<16xf32>,
      %scan3A_138 = arith.constant 7 : i32
      %scan3A_139 = arith.addi %scan3A_29, %scan3A_138 : i32
      %mul3A_140 = arith.constant 1 : i32
      %mul3A_141 = arith.muli %scan3A_139, %mul3A_140 : i32
      %add3A_142 = arith.constant 0 : i32
      %add3A_143 = arith.addi %add3A_142, %mul3A_141 : i32
      %mul3A_144 = arith.constant 16 : i32
      %mul3A_145 = arith.muli %add3A_143, %mul3A_144 : i32
      %get3A_146 = arith.index_cast %mul3A_145 : i32 to index
      %get3A_147 = tpu.vector_load %arg8[%get3A_146] {strides = array<i32>} : memref<4096xi32, #tpu.memory_space<vmem>>, vector<16xi32>,
      %gather3A_148 = tpu.vector_load_idx %arg6[%get3A_147] : memref<100000xf32, #tpu.memory_space<vmem>>[vector<16xi32>], vector<16xf32>,
      %add3A_149 = arith.constant 8192 : i32
      %add3A_150 = arith.addi %add3A_149, %mul3A_145 : i32
      %mul3A_151 = arith.mulf %gather3A_148, %gather3A : vector<16xf32>
      %swap3A_152 = arith.index_cast %add3A_150 : i32 to index
      %swap3A_153 = tpu.vector_load %arg7[%swap3A_152] {strides = array<i32>} : memref<16384xf32, #tpu.memory_space<vmem>>, vector<16xf32>,
      tpu.vector_store %arg7[%swap3A_152], %mul3A_151 {strides = array<i32>} : memref<16384xf32, #tpu.memory_space<vmem>>, vector<16xf32>,
    }
    %scan3A_17 = arith.constant 256 : i32
    %run_scoped3A_18 = arith.constant 0 : i32
    "tpu.region"() ({
      %run_scoped3A_29 = tpu.sem_alloc : memref<!tpu.dma_semaphore, #tpu.memory_space<semaphore_mem>>
      %dma_start3A = arith.constant 12288 : i32
      %dma_start3A_30 = tpu.memref_slice %arg2[%run_scoped3A_18, %dma_start3A] : memref<26x16384xi32, #tpu.memory_space<hbm>> -> memref<1x4096xi32, #tpu.memory_space<hbm>>
      %dma_start3A_31 = tpu.memref_squeeze %dma_start3A_30 : memref<1x4096xi32, #tpu.memory_space<hbm>> -> memref<4096xi32, #tpu.memory_space<hbm>>
      %dma_start3A_32 = arith.constant 12288 : i32
      %dma_start3A_33 = tpu.memref_slice %arg2[%run_scoped3A_18, %dma_start3A_32] : memref<26x16384xi32, #tpu.memory_space<hbm>> -> memref<1x4096xi32, #tpu.memory_space<hbm>>
      %dma_start3A_34 = tpu.memref_squeeze %dma_start3A_33 : memref<1x4096xi32, #tpu.memory_space<hbm>> -> memref<4096xi32, #tpu.memory_space<hbm>>
      tpu.enqueue_dma source(%dma_start3A_34 : memref<4096xi32, #tpu.memory_space<hbm>>) target(%arg8 : memref<4096xi32, #tpu.memory_space<vmem>>) target_semaphore(%run_scoped3A_29 : memref<!tpu.dma_semaphore, #tpu.memory_space<semaphore_mem>>)
      %dma_wait3A = arith.constant 12288 : i32
      %dma_wait3A_35 = tpu.memref_slice %arg2[%run_scoped3A_18, %dma_wait3A] : memref<26x16384xi32, #tpu.memory_space<hbm>> -> memref<1x4096xi32, #tpu.memory_space<hbm>>
      %dma_wait3A_36 = tpu.memref_squeeze %dma_wait3A_35 : memref<1x4096xi32, #tpu.memory_space<hbm>> -> memref<4096xi32, #tpu.memory_space<hbm>>
      %dma_wait3A_37 = arith.constant 12288 : i32
      %dma_wait3A_38 = tpu.memref_slice %arg2[%run_scoped3A_18, %dma_wait3A_37] : memref<26x16384xi32, #tpu.memory_space<hbm>> -> memref<1x4096xi32, #tpu.memory_space<hbm>>
      %dma_wait3A_39 = tpu.memref_squeeze %dma_wait3A_38 : memref<1x4096xi32, #tpu.memory_space<hbm>> -> memref<4096xi32, #tpu.memory_space<hbm>>
      tpu.wait_dma2 semaphore(%run_scoped3A_29 : memref<!tpu.dma_semaphore, #tpu.memory_space<semaphore_mem>>) src(%dma_wait3A_39 : memref<4096xi32, #tpu.memory_space<hbm>>) dst(%arg8 : memref<4096xi32, #tpu.memory_space<vmem>>)
      tpu.yield
    }) : () -> ()
    %scan3A_19 = arith.constant 0 : i32
    %scan3A_20 = arith.constant 256 : i32
    %scan3A_21 = arith.addi %scan3A_19, %scan3A_20 : i32
    %scan3A_22 = arith.constant 8 : i32
    scf.for %scan3A_29 = %scan3A_19 to %scan3A_21 step %scan3A_22  : i32 {
      %mul3A_30 = arith.constant 1 : i32
      %mul3A_31 = arith.muli %scan3A_29, %mul3A_30 : i32
      %add3A_32 = arith.constant 0 : i32
      %add3A_33 = arith.addi %add3A_32, %mul3A_31 : i32
      %mul3A_34 = arith.constant 16 : i32
      %mul3A_35 = arith.muli %add3A_33, %mul3A_34 : i32
      %get3A = arith.index_cast %mul3A_35 : i32 to index
      %get3A_36 = tpu.vector_load %arg8[%get3A] {strides = array<i32>} : memref<4096xi32, #tpu.memory_space<vmem>>, vector<16xi32>,
      %gather3A_37 = tpu.vector_load_idx %arg6[%get3A_36] : memref<100000xf32, #tpu.memory_space<vmem>>[vector<16xi32>], vector<16xf32>,
      %add3A_38 = arith.constant 12288 : i32
      %add3A_39 = arith.addi %add3A_38, %mul3A_35 : i32
      %mul3A_40 = arith.mulf %gather3A_37, %gather3A : vector<16xf32>
      %swap3A = arith.index_cast %add3A_39 : i32 to index
      %swap3A_41 = tpu.vector_load %arg7[%swap3A] {strides = array<i32>} : memref<16384xf32, #tpu.memory_space<vmem>>, vector<16xf32>,
      tpu.vector_store %arg7[%swap3A], %mul3A_40 {strides = array<i32>} : memref<16384xf32, #tpu.memory_space<vmem>>, vector<16xf32>,
      %scan3A_42 = arith.constant 1 : i32
      %scan3A_43 = arith.addi %scan3A_29, %scan3A_42 : i32
      %mul3A_44 = arith.constant 1 : i32
      %mul3A_45 = arith.muli %scan3A_43, %mul3A_44 : i32
      %add3A_46 = arith.constant 0 : i32
      %add3A_47 = arith.addi %add3A_46, %mul3A_45 : i32
      %mul3A_48 = arith.constant 16 : i32
      %mul3A_49 = arith.muli %add3A_47, %mul3A_48 : i32
      %get3A_50 = arith.index_cast %mul3A_49 : i32 to index
      %get3A_51 = tpu.vector_load %arg8[%get3A_50] {strides = array<i32>} : memref<4096xi32, #tpu.memory_space<vmem>>, vector<16xi32>,
      %gather3A_52 = tpu.vector_load_idx %arg6[%get3A_51] : memref<100000xf32, #tpu.memory_space<vmem>>[vector<16xi32>], vector<16xf32>,
      %add3A_53 = arith.constant 12288 : i32
      %add3A_54 = arith.addi %add3A_53, %mul3A_49 : i32
      %mul3A_55 = arith.mulf %gather3A_52, %gather3A : vector<16xf32>
      %swap3A_56 = arith.index_cast %add3A_54 : i32 to index
      %swap3A_57 = tpu.vector_load %arg7[%swap3A_56] {strides = array<i32>} : memref<16384xf32, #tpu.memory_space<vmem>>, vector<16xf32>,
      tpu.vector_store %arg7[%swap3A_56], %mul3A_55 {strides = array<i32>} : memref<16384xf32, #tpu.memory_space<vmem>>, vector<16xf32>,
      %scan3A_58 = arith.constant 2 : i32
      %scan3A_59 = arith.addi %scan3A_29, %scan3A_58 : i32
      %mul3A_60 = arith.constant 1 : i32
      %mul3A_61 = arith.muli %scan3A_59, %mul3A_60 : i32
      %add3A_62 = arith.constant 0 : i32
      %add3A_63 = arith.addi %add3A_62, %mul3A_61 : i32
      %mul3A_64 = arith.constant 16 : i32
      %mul3A_65 = arith.muli %add3A_63, %mul3A_64 : i32
      %get3A_66 = arith.index_cast %mul3A_65 : i32 to index
      %get3A_67 = tpu.vector_load %arg8[%get3A_66] {strides = array<i32>} : memref<4096xi32, #tpu.memory_space<vmem>>, vector<16xi32>,
      %gather3A_68 = tpu.vector_load_idx %arg6[%get3A_67] : memref<100000xf32, #tpu.memory_space<vmem>>[vector<16xi32>], vector<16xf32>,
      %add3A_69 = arith.constant 12288 : i32
      %add3A_70 = arith.addi %add3A_69, %mul3A_65 : i32
      %mul3A_71 = arith.mulf %gather3A_68, %gather3A : vector<16xf32>
      %swap3A_72 = arith.index_cast %add3A_70 : i32 to index
      %swap3A_73 = tpu.vector_load %arg7[%swap3A_72] {strides = array<i32>} : memref<16384xf32, #tpu.memory_space<vmem>>, vector<16xf32>,
      tpu.vector_store %arg7[%swap3A_72], %mul3A_71 {strides = array<i32>} : memref<16384xf32, #tpu.memory_space<vmem>>, vector<16xf32>,
      %scan3A_74 = arith.constant 3 : i32
      %scan3A_75 = arith.addi %scan3A_29, %scan3A_74 : i32
      %mul3A_76 = arith.constant 1 : i32
      %mul3A_77 = arith.muli %scan3A_75, %mul3A_76 : i32
      %add3A_78 = arith.constant 0 : i32
      %add3A_79 = arith.addi %add3A_78, %mul3A_77 : i32
      %mul3A_80 = arith.constant 16 : i32
      %mul3A_81 = arith.muli %add3A_79, %mul3A_80 : i32
      %get3A_82 = arith.index_cast %mul3A_81 : i32 to index
      %get3A_83 = tpu.vector_load %arg8[%get3A_82] {strides = array<i32>} : memref<4096xi32, #tpu.memory_space<vmem>>, vector<16xi32>,
      %gather3A_84 = tpu.vector_load_idx %arg6[%get3A_83] : memref<100000xf32, #tpu.memory_space<vmem>>[vector<16xi32>], vector<16xf32>,
      %add3A_85 = arith.constant 12288 : i32
      %add3A_86 = arith.addi %add3A_85, %mul3A_81 : i32
      %mul3A_87 = arith.mulf %gather3A_84, %gather3A : vector<16xf32>
      %swap3A_88 = arith.index_cast %add3A_86 : i32 to index
      %swap3A_89 = tpu.vector_load %arg7[%swap3A_88] {strides = array<i32>} : memref<16384xf32, #tpu.memory_space<vmem>>, vector<16xf32>,
      tpu.vector_store %arg7[%swap3A_88], %mul3A_87 {strides = array<i32>} : memref<16384xf32, #tpu.memory_space<vmem>>, vector<16xf32>,
      %scan3A_90 = arith.constant 4 : i32
      %scan3A_91 = arith.addi %scan3A_29, %scan3A_90 : i32
      %mul3A_92 = arith.constant 1 : i32
      %mul3A_93 = arith.muli %scan3A_91, %mul3A_92 : i32
      %add3A_94 = arith.constant 0 : i32
      %add3A_95 = arith.addi %add3A_94, %mul3A_93 : i32
      %mul3A_96 = arith.constant 16 : i32
      %mul3A_97 = arith.muli %add3A_95, %mul3A_96 : i32
      %get3A_98 = arith.index_cast %mul3A_97 : i32 to index
      %get3A_99 = tpu.vector_load %arg8[%get3A_98] {strides = array<i32>} : memref<4096xi32, #tpu.memory_space<vmem>>, vector<16xi32>,
      %gather3A_100 = tpu.vector_load_idx %arg6[%get3A_99] : memref<100000xf32, #tpu.memory_space<vmem>>[vector<16xi32>], vector<16xf32>,
      %add3A_101 = arith.constant 12288 : i32
      %add3A_102 = arith.addi %add3A_101, %mul3A_97 : i32
      %mul3A_103 = arith.mulf %gather3A_100, %gather3A : vector<16xf32>
      %swap3A_104 = arith.index_cast %add3A_102 : i32 to index
      %swap3A_105 = tpu.vector_load %arg7[%swap3A_104] {strides = array<i32>} : memref<16384xf32, #tpu.memory_space<vmem>>, vector<16xf32>,
      tpu.vector_store %arg7[%swap3A_104], %mul3A_103 {strides = array<i32>} : memref<16384xf32, #tpu.memory_space<vmem>>, vector<16xf32>,
      %scan3A_106 = arith.constant 5 : i32
      %scan3A_107 = arith.addi %scan3A_29, %scan3A_106 : i32
      %mul3A_108 = arith.constant 1 : i32
      %mul3A_109 = arith.muli %scan3A_107, %mul3A_108 : i32
      %add3A_110 = arith.constant 0 : i32
      %add3A_111 = arith.addi %add3A_110, %mul3A_109 : i32
      %mul3A_112 = arith.constant 16 : i32
      %mul3A_113 = arith.muli %add3A_111, %mul3A_112 : i32
      %get3A_114 = arith.index_cast %mul3A_113 : i32 to index
      %get3A_115 = tpu.vector_load %arg8[%get3A_114] {strides = array<i32>} : memref<4096xi32, #tpu.memory_space<vmem>>, vector<16xi32>,
      %gather3A_116 = tpu.vector_load_idx %arg6[%get3A_115] : memref<100000xf32, #tpu.memory_space<vmem>>[vector<16xi32>], vector<16xf32>,
      %add3A_117 = arith.constant 12288 : i32
      %add3A_118 = arith.addi %add3A_117, %mul3A_113 : i32
      %mul3A_119 = arith.mulf %gather3A_116, %gather3A : vector<16xf32>
      %swap3A_120 = arith.index_cast %add3A_118 : i32 to index
      %swap3A_121 = tpu.vector_load %arg7[%swap3A_120] {strides = array<i32>} : memref<16384xf32, #tpu.memory_space<vmem>>, vector<16xf32>,
      tpu.vector_store %arg7[%swap3A_120], %mul3A_119 {strides = array<i32>} : memref<16384xf32, #tpu.memory_space<vmem>>, vector<16xf32>,
      %scan3A_122 = arith.constant 6 : i32
      %scan3A_123 = arith.addi %scan3A_29, %scan3A_122 : i32
      %mul3A_124 = arith.constant 1 : i32
      %mul3A_125 = arith.muli %scan3A_123, %mul3A_124 : i32
      %add3A_126 = arith.constant 0 : i32
      %add3A_127 = arith.addi %add3A_126, %mul3A_125 : i32
      %mul3A_128 = arith.constant 16 : i32
      %mul3A_129 = arith.muli %add3A_127, %mul3A_128 : i32
      %get3A_130 = arith.index_cast %mul3A_129 : i32 to index
      %get3A_131 = tpu.vector_load %arg8[%get3A_130] {strides = array<i32>} : memref<4096xi32, #tpu.memory_space<vmem>>, vector<16xi32>,
      %gather3A_132 = tpu.vector_load_idx %arg6[%get3A_131] : memref<100000xf32, #tpu.memory_space<vmem>>[vector<16xi32>], vector<16xf32>,
      %add3A_133 = arith.constant 12288 : i32
      %add3A_134 = arith.addi %add3A_133, %mul3A_129 : i32
      %mul3A_135 = arith.mulf %gather3A_132, %gather3A : vector<16xf32>
      %swap3A_136 = arith.index_cast %add3A_134 : i32 to index
      %swap3A_137 = tpu.vector_load %arg7[%swap3A_136] {strides = array<i32>} : memref<16384xf32, #tpu.memory_space<vmem>>, vector<16xf32>,
      tpu.vector_store %arg7[%swap3A_136], %mul3A_135 {strides = array<i32>} : memref<16384xf32, #tpu.memory_space<vmem>>, vector<16xf32>,
      %scan3A_138 = arith.constant 7 : i32
      %scan3A_139 = arith.addi %scan3A_29, %scan3A_138 : i32
      %mul3A_140 = arith.constant 1 : i32
      %mul3A_141 = arith.muli %scan3A_139, %mul3A_140 : i32
      %add3A_142 = arith.constant 0 : i32
      %add3A_143 = arith.addi %add3A_142, %mul3A_141 : i32
      %mul3A_144 = arith.constant 16 : i32
      %mul3A_145 = arith.muli %add3A_143, %mul3A_144 : i32
      %get3A_146 = arith.index_cast %mul3A_145 : i32 to index
      %get3A_147 = tpu.vector_load %arg8[%get3A_146] {strides = array<i32>} : memref<4096xi32, #tpu.memory_space<vmem>>, vector<16xi32>,
      %gather3A_148 = tpu.vector_load_idx %arg6[%get3A_147] : memref<100000xf32, #tpu.memory_space<vmem>>[vector<16xi32>], vector<16xf32>,
      %add3A_149 = arith.constant 12288 : i32
      %add3A_150 = arith.addi %add3A_149, %mul3A_145 : i32
      %mul3A_151 = arith.mulf %gather3A_148, %gather3A : vector<16xf32>
      %swap3A_152 = arith.index_cast %add3A_150 : i32 to index
      %swap3A_153 = tpu.vector_load %arg7[%swap3A_152] {strides = array<i32>} : memref<16384xf32, #tpu.memory_space<vmem>>, vector<16xf32>,
      tpu.vector_store %arg7[%swap3A_152], %mul3A_151 {strides = array<i32>} : memref<16384xf32, #tpu.memory_space<vmem>>, vector<16xf32>,
    }
    %scan3A_23 = arith.constant 256 : i32
    %scan3A_24 = arith.constant 0 : i32
    %scan3A_25 = arith.constant 25 : i32
    %scan3A_26 = arith.addi %scan3A_24, %scan3A_25 : i32
    %scan3A_27 = arith.constant 1 : i32
    scf.for %scan3A_29 = %scan3A_24 to %scan3A_26 step %scan3A_27  : i32 {
      %mul3A_30 = arith.constant 1 : i32
      %mul3A_31 = arith.muli %scan3A_29, %mul3A_30 : i32
      %add3A_32 = arith.constant 1 : i32
      %add3A_33 = arith.addi %add3A_32, %mul3A_31 : i32
      "tpu.region"() ({
        %run_scoped3A_54 = tpu.sem_alloc : memref<!tpu.dma_semaphore, #tpu.memory_space<semaphore_mem>>
        %dma_start3A = arith.constant 0 : i32
        %dma_start3A_55 = tpu.memref_slice %arg3[%add3A_33, %add3A, %dma_start3A] : memref<26x32x100000xf32, #tpu.memory_space<hbm>> -> memref<1x1x100000xf32, #tpu.memory_space<hbm>>
        %dma_start3A_56 = tpu.memref_squeeze %dma_start3A_55 : memref<1x1x100000xf32, #tpu.memory_space<hbm>> -> memref<100000xf32, #tpu.memory_space<hbm>>
        %dma_start3A_57 = arith.constant 0 : i32
        %dma_start3A_58 = tpu.memref_slice %arg3[%add3A_33, %add3A, %dma_start3A_57] : memref<26x32x100000xf32, #tpu.memory_space<hbm>> -> memref<1x1x100000xf32, #tpu.memory_space<hbm>>
        %dma_start3A_59 = tpu.memref_squeeze %dma_start3A_58 : memref<1x1x100000xf32, #tpu.memory_space<hbm>> -> memref<100000xf32, #tpu.memory_space<hbm>>
        tpu.enqueue_dma source(%dma_start3A_59 : memref<100000xf32, #tpu.memory_space<hbm>>) target(%arg6 : memref<100000xf32, #tpu.memory_space<vmem>>) target_semaphore(%run_scoped3A_54 : memref<!tpu.dma_semaphore, #tpu.memory_space<semaphore_mem>>)
        %dma_wait3A = arith.constant 0 : i32
        %dma_wait3A_60 = tpu.memref_slice %arg3[%add3A_33, %add3A, %dma_wait3A] : memref<26x32x100000xf32, #tpu.memory_space<hbm>> -> memref<1x1x100000xf32, #tpu.memory_space<hbm>>
        %dma_wait3A_61 = tpu.memref_squeeze %dma_wait3A_60 : memref<1x1x100000xf32, #tpu.memory_space<hbm>> -> memref<100000xf32, #tpu.memory_space<hbm>>
        %dma_wait3A_62 = arith.constant 0 : i32
        %dma_wait3A_63 = tpu.memref_slice %arg3[%add3A_33, %add3A, %dma_wait3A_62] : memref<26x32x100000xf32, #tpu.memory_space<hbm>> -> memref<1x1x100000xf32, #tpu.memory_space<hbm>>
        %dma_wait3A_64 = tpu.memref_squeeze %dma_wait3A_63 : memref<1x1x100000xf32, #tpu.memory_space<hbm>> -> memref<100000xf32, #tpu.memory_space<hbm>>
        tpu.wait_dma2 semaphore(%run_scoped3A_54 : memref<!tpu.dma_semaphore, #tpu.memory_space<semaphore_mem>>) src(%dma_wait3A_64 : memref<100000xf32, #tpu.memory_space<hbm>>) dst(%arg6 : memref<100000xf32, #tpu.memory_space<vmem>>)
        tpu.yield
      }) : () -> ()
      "tpu.region"() ({
        %run_scoped3A_54 = tpu.sem_alloc : memref<!tpu.dma_semaphore, #tpu.memory_space<semaphore_mem>>
        %dma_start3A = arith.constant 0 : i32
        %dma_start3A_55 = tpu.memref_slice %arg2[%add3A_33, %dma_start3A] : memref<26x16384xi32, #tpu.memory_space<hbm>> -> memref<1x4096xi32, #tpu.memory_space<hbm>>
        %dma_start3A_56 = tpu.memref_squeeze %dma_start3A_55 : memref<1x4096xi32, #tpu.memory_space<hbm>> -> memref<4096xi32, #tpu.memory_space<hbm>>
        %dma_start3A_57 = arith.constant 0 : i32
        %dma_start3A_58 = tpu.memref_slice %arg2[%add3A_33, %dma_start3A_57] : memref<26x16384xi32, #tpu.memory_space<hbm>> -> memref<1x4096xi32, #tpu.memory_space<hbm>>
        %dma_start3A_59 = tpu.memref_squeeze %dma_start3A_58 : memref<1x4096xi32, #tpu.memory_space<hbm>> -> memref<4096xi32, #tpu.memory_space<hbm>>
        tpu.enqueue_dma source(%dma_start3A_59 : memref<4096xi32, #tpu.memory_space<hbm>>) target(%arg8 : memref<4096xi32, #tpu.memory_space<vmem>>) target_semaphore(%run_scoped3A_54 : memref<!tpu.dma_semaphore, #tpu.memory_space<semaphore_mem>>)
        %dma_wait3A = arith.constant 0 : i32
        %dma_wait3A_60 = tpu.memref_slice %arg2[%add3A_33, %dma_wait3A] : memref<26x16384xi32, #tpu.memory_space<hbm>> -> memref<1x4096xi32, #tpu.memory_space<hbm>>
        %dma_wait3A_61 = tpu.memref_squeeze %dma_wait3A_60 : memref<1x4096xi32, #tpu.memory_space<hbm>> -> memref<4096xi32, #tpu.memory_space<hbm>>
        %dma_wait3A_62 = arith.constant 0 : i32
        %dma_wait3A_63 = tpu.memref_slice %arg2[%add3A_33, %dma_wait3A_62] : memref<26x16384xi32, #tpu.memory_space<hbm>> -> memref<1x4096xi32, #tpu.memory_space<hbm>>
        %dma_wait3A_64 = tpu.memref_squeeze %dma_wait3A_63 : memref<1x4096xi32, #tpu.memory_space<hbm>> -> memref<4096xi32, #tpu.memory_space<hbm>>
        tpu.wait_dma2 semaphore(%run_scoped3A_54 : memref<!tpu.dma_semaphore, #tpu.memory_space<semaphore_mem>>) src(%dma_wait3A_64 : memref<4096xi32, #tpu.memory_space<hbm>>) dst(%arg8 : memref<4096xi32, #tpu.memory_space<vmem>>)
        tpu.yield
      }) : () -> ()
      %scan3A_34 = arith.constant 0 : i32
      %scan3A_35 = arith.constant 256 : i32
      %scan3A_36 = arith.addi %scan3A_34, %scan3A_35 : i32
      %scan3A_37 = arith.constant 8 : i32
      scf.for %scan3A_54 = %scan3A_34 to %scan3A_36 step %scan3A_37  : i32 {
        %mul3A_55 = arith.constant 1 : i32
        %mul3A_56 = arith.muli %scan3A_54, %mul3A_55 : i32
        %add3A_57 = arith.constant 0 : i32
        %add3A_58 = arith.addi %add3A_57, %mul3A_56 : i32
        %mul3A_59 = arith.constant 16 : i32
        %mul3A_60 = arith.muli %add3A_58, %mul3A_59 : i32
        %get3A = arith.index_cast %mul3A_60 : i32 to index
        %get3A_61 = tpu.vector_load %arg8[%get3A] {strides = array<i32>} : memref<4096xi32, #tpu.memory_space<vmem>>, vector<16xi32>,
        %gather3A_62 = tpu.vector_load_idx %arg6[%get3A_61] : memref<100000xf32, #tpu.memory_space<vmem>>[vector<16xi32>], vector<16xf32>,
        %add3A_63 = arith.constant 0 : i32
        %add3A_64 = arith.addi %add3A_63, %mul3A_60 : i32
        %get3A_65 = arith.index_cast %add3A_64 : i32 to index
        %get3A_66 = tpu.vector_load %arg7[%get3A_65] {strides = array<i32>} : memref<16384xf32, #tpu.memory_space<vmem>>, vector<16xf32>,
        %mul3A_67 = arith.mulf %get3A_66, %gather3A_62 : vector<16xf32>
        %swap3A = arith.index_cast %add3A_64 : i32 to index
        %swap3A_68 = tpu.vector_load %arg7[%swap3A] {strides = array<i32>} : memref<16384xf32, #tpu.memory_space<vmem>>, vector<16xf32>,
        tpu.vector_store %arg7[%swap3A], %mul3A_67 {strides = array<i32>} : memref<16384xf32, #tpu.memory_space<vmem>>, vector<16xf32>,
        %scan3A_69 = arith.constant 1 : i32
        %scan3A_70 = arith.addi %scan3A_54, %scan3A_69 : i32
        %mul3A_71 = arith.constant 1 : i32
        %mul3A_72 = arith.muli %scan3A_70, %mul3A_71 : i32
        %add3A_73 = arith.constant 0 : i32
        %add3A_74 = arith.addi %add3A_73, %mul3A_72 : i32
        %mul3A_75 = arith.constant 16 : i32
        %mul3A_76 = arith.muli %add3A_74, %mul3A_75 : i32
        %get3A_77 = arith.index_cast %mul3A_76 : i32 to index
        %get3A_78 = tpu.vector_load %arg8[%get3A_77] {strides = array<i32>} : memref<4096xi32, #tpu.memory_space<vmem>>, vector<16xi32>,
        %gather3A_79 = tpu.vector_load_idx %arg6[%get3A_78] : memref<100000xf32, #tpu.memory_space<vmem>>[vector<16xi32>], vector<16xf32>,
        %add3A_80 = arith.constant 0 : i32
        %add3A_81 = arith.addi %add3A_80, %mul3A_76 : i32
        %get3A_82 = arith.index_cast %add3A_81 : i32 to index
        %get3A_83 = tpu.vector_load %arg7[%get3A_82] {strides = array<i32>} : memref<16384xf32, #tpu.memory_space<vmem>>, vector<16xf32>,
        %mul3A_84 = arith.mulf %get3A_83, %gather3A_79 : vector<16xf32>
        %swap3A_85 = arith.index_cast %add3A_81 : i32 to index
        %swap3A_86 = tpu.vector_load %arg7[%swap3A_85] {strides = array<i32>} : memref<16384xf32, #tpu.memory_space<vmem>>, vector<16xf32>,
        tpu.vector_store %arg7[%swap3A_85], %mul3A_84 {strides = array<i32>} : memref<16384xf32, #tpu.memory_space<vmem>>, vector<16xf32>,
        %scan3A_87 = arith.constant 2 : i32
        %scan3A_88 = arith.addi %scan3A_54, %scan3A_87 : i32
        %mul3A_89 = arith.constant 1 : i32
        %mul3A_90 = arith.muli %scan3A_88, %mul3A_89 : i32
        %add3A_91 = arith.constant 0 : i32
        %add3A_92 = arith.addi %add3A_91, %mul3A_90 : i32
        %mul3A_93 = arith.constant 16 : i32
        %mul3A_94 = arith.muli %add3A_92, %mul3A_93 : i32
        %get3A_95 = arith.index_cast %mul3A_94 : i32 to index
        %get3A_96 = tpu.vector_load %arg8[%get3A_95] {strides = array<i32>} : memref<4096xi32, #tpu.memory_space<vmem>>, vector<16xi32>,
        %gather3A_97 = tpu.vector_load_idx %arg6[%get3A_96] : memref<100000xf32, #tpu.memory_space<vmem>>[vector<16xi32>], vector<16xf32>,
        %add3A_98 = arith.constant 0 : i32
        %add3A_99 = arith.addi %add3A_98, %mul3A_94 : i32
        %get3A_100 = arith.index_cast %add3A_99 : i32 to index
        %get3A_101 = tpu.vector_load %arg7[%get3A_100] {strides = array<i32>} : memref<16384xf32, #tpu.memory_space<vmem>>, vector<16xf32>,
        %mul3A_102 = arith.mulf %get3A_101, %gather3A_97 : vector<16xf32>
        %swap3A_103 = arith.index_cast %add3A_99 : i32 to index
        %swap3A_104 = tpu.vector_load %arg7[%swap3A_103] {strides = array<i32>} : memref<16384xf32, #tpu.memory_space<vmem>>, vector<16xf32>,
        tpu.vector_store %arg7[%swap3A_103], %mul3A_102 {strides = array<i32>} : memref<16384xf32, #tpu.memory_space<vmem>>, vector<16xf32>,
        %scan3A_105 = arith.constant 3 : i32
        %scan3A_106 = arith.addi %scan3A_54, %scan3A_105 : i32
        %mul3A_107 = arith.constant 1 : i32
        %mul3A_108 = arith.muli %scan3A_106, %mul3A_107 : i32
        %add3A_109 = arith.constant 0 : i32
        %add3A_110 = arith.addi %add3A_109, %mul3A_108 : i32
        %mul3A_111 = arith.constant 16 : i32
        %mul3A_112 = arith.muli %add3A_110, %mul3A_111 : i32
        %get3A_113 = arith.index_cast %mul3A_112 : i32 to index
        %get3A_114 = tpu.vector_load %arg8[%get3A_113] {strides = array<i32>} : memref<4096xi32, #tpu.memory_space<vmem>>, vector<16xi32>,
        %gather3A_115 = tpu.vector_load_idx %arg6[%get3A_114] : memref<100000xf32, #tpu.memory_space<vmem>>[vector<16xi32>], vector<16xf32>,
        %add3A_116 = arith.constant 0 : i32
        %add3A_117 = arith.addi %add3A_116, %mul3A_112 : i32
        %get3A_118 = arith.index_cast %add3A_117 : i32 to index
        %get3A_119 = tpu.vector_load %arg7[%get3A_118] {strides = array<i32>} : memref<16384xf32, #tpu.memory_space<vmem>>, vector<16xf32>,
        %mul3A_120 = arith.mulf %get3A_119, %gather3A_115 : vector<16xf32>
        %swap3A_121 = arith.index_cast %add3A_117 : i32 to index
        %swap3A_122 = tpu.vector_load %arg7[%swap3A_121] {strides = array<i32>} : memref<16384xf32, #tpu.memory_space<vmem>>, vector<16xf32>,
        tpu.vector_store %arg7[%swap3A_121], %mul3A_120 {strides = array<i32>} : memref<16384xf32, #tpu.memory_space<vmem>>, vector<16xf32>,
        %scan3A_123 = arith.constant 4 : i32
        %scan3A_124 = arith.addi %scan3A_54, %scan3A_123 : i32
        %mul3A_125 = arith.constant 1 : i32
        %mul3A_126 = arith.muli %scan3A_124, %mul3A_125 : i32
        %add3A_127 = arith.constant 0 : i32
        %add3A_128 = arith.addi %add3A_127, %mul3A_126 : i32
        %mul3A_129 = arith.constant 16 : i32
        %mul3A_130 = arith.muli %add3A_128, %mul3A_129 : i32
        %get3A_131 = arith.index_cast %mul3A_130 : i32 to index
        %get3A_132 = tpu.vector_load %arg8[%get3A_131] {strides = array<i32>} : memref<4096xi32, #tpu.memory_space<vmem>>, vector<16xi32>,
        %gather3A_133 = tpu.vector_load_idx %arg6[%get3A_132] : memref<100000xf32, #tpu.memory_space<vmem>>[vector<16xi32>], vector<16xf32>,
        %add3A_134 = arith.constant 0 : i32
        %add3A_135 = arith.addi %add3A_134, %mul3A_130 : i32
        %get3A_136 = arith.index_cast %add3A_135 : i32 to index
        %get3A_137 = tpu.vector_load %arg7[%get3A_136] {strides = array<i32>} : memref<16384xf32, #tpu.memory_space<vmem>>, vector<16xf32>,
        %mul3A_138 = arith.mulf %get3A_137, %gather3A_133 : vector<16xf32>
        %swap3A_139 = arith.index_cast %add3A_135 : i32 to index
        %swap3A_140 = tpu.vector_load %arg7[%swap3A_139] {strides = array<i32>} : memref<16384xf32, #tpu.memory_space<vmem>>, vector<16xf32>,
        tpu.vector_store %arg7[%swap3A_139], %mul3A_138 {strides = array<i32>} : memref<16384xf32, #tpu.memory_space<vmem>>, vector<16xf32>,
        %scan3A_141 = arith.constant 5 : i32
        %scan3A_142 = arith.addi %scan3A_54, %scan3A_141 : i32
        %mul3A_143 = arith.constant 1 : i32
        %mul3A_144 = arith.muli %scan3A_142, %mul3A_143 : i32
        %add3A_145 = arith.constant 0 : i32
        %add3A_146 = arith.addi %add3A_145, %mul3A_144 : i32
        %mul3A_147 = arith.constant 16 : i32
        %mul3A_148 = arith.muli %add3A_146, %mul3A_147 : i32
        %get3A_149 = arith.index_cast %mul3A_148 : i32 to index
        %get3A_150 = tpu.vector_load %arg8[%get3A_149] {strides = array<i32>} : memref<4096xi32, #tpu.memory_space<vmem>>, vector<16xi32>,
        %gather3A_151 = tpu.vector_load_idx %arg6[%get3A_150] : memref<100000xf32, #tpu.memory_space<vmem>>[vector<16xi32>], vector<16xf32>,
        %add3A_152 = arith.constant 0 : i32
        %add3A_153 = arith.addi %add3A_152, %mul3A_148 : i32
        %get3A_154 = arith.index_cast %add3A_153 : i32 to index
        %get3A_155 = tpu.vector_load %arg7[%get3A_154] {strides = array<i32>} : memref<16384xf32, #tpu.memory_space<vmem>>, vector<16xf32>,
        %mul3A_156 = arith.mulf %get3A_155, %gather3A_151 : vector<16xf32>
        %swap3A_157 = arith.index_cast %add3A_153 : i32 to index
        %swap3A_158 = tpu.vector_load %arg7[%swap3A_157] {strides = array<i32>} : memref<16384xf32, #tpu.memory_space<vmem>>, vector<16xf32>,
        tpu.vector_store %arg7[%swap3A_157], %mul3A_156 {strides = array<i32>} : memref<16384xf32, #tpu.memory_space<vmem>>, vector<16xf32>,
        %scan3A_159 = arith.constant 6 : i32
        %scan3A_160 = arith.addi %scan3A_54, %scan3A_159 : i32
        %mul3A_161 = arith.constant 1 : i32
        %mul3A_162 = arith.muli %scan3A_160, %mul3A_161 : i32
        %add3A_163 = arith.constant 0 : i32
        %add3A_164 = arith.addi %add3A_163, %mul3A_162 : i32
        %mul3A_165 = arith.constant 16 : i32
        %mul3A_166 = arith.muli %add3A_164, %mul3A_165 : i32
        %get3A_167 = arith.index_cast %mul3A_166 : i32 to index
        %get3A_168 = tpu.vector_load %arg8[%get3A_167] {strides = array<i32>} : memref<4096xi32, #tpu.memory_space<vmem>>, vector<16xi32>,
        %gather3A_169 = tpu.vector_load_idx %arg6[%get3A_168] : memref<100000xf32, #tpu.memory_space<vmem>>[vector<16xi32>], vector<16xf32>,
        %add3A_170 = arith.constant 0 : i32
        %add3A_171 = arith.addi %add3A_170, %mul3A_166 : i32
        %get3A_172 = arith.index_cast %add3A_171 : i32 to index
        %get3A_173 = tpu.vector_load %arg7[%get3A_172] {strides = array<i32>} : memref<16384xf32, #tpu.memory_space<vmem>>, vector<16xf32>,
        %mul3A_174 = arith.mulf %get3A_173, %gather3A_169 : vector<16xf32>
        %swap3A_175 = arith.index_cast %add3A_171 : i32 to index
        %swap3A_176 = tpu.vector_load %arg7[%swap3A_175] {strides = array<i32>} : memref<16384xf32, #tpu.memory_space<vmem>>, vector<16xf32>,
        tpu.vector_store %arg7[%swap3A_175], %mul3A_174 {strides = array<i32>} : memref<16384xf32, #tpu.memory_space<vmem>>, vector<16xf32>,
        %scan3A_177 = arith.constant 7 : i32
        %scan3A_178 = arith.addi %scan3A_54, %scan3A_177 : i32
        %mul3A_179 = arith.constant 1 : i32
        %mul3A_180 = arith.muli %scan3A_178, %mul3A_179 : i32
        %add3A_181 = arith.constant 0 : i32
        %add3A_182 = arith.addi %add3A_181, %mul3A_180 : i32
        %mul3A_183 = arith.constant 16 : i32
        %mul3A_184 = arith.muli %add3A_182, %mul3A_183 : i32
        %get3A_185 = arith.index_cast %mul3A_184 : i32 to index
        %get3A_186 = tpu.vector_load %arg8[%get3A_185] {strides = array<i32>} : memref<4096xi32, #tpu.memory_space<vmem>>, vector<16xi32>,
        %gather3A_187 = tpu.vector_load_idx %arg6[%get3A_186] : memref<100000xf32, #tpu.memory_space<vmem>>[vector<16xi32>], vector<16xf32>,
        %add3A_188 = arith.constant 0 : i32
        %add3A_189 = arith.addi %add3A_188, %mul3A_184 : i32
        %get3A_190 = arith.index_cast %add3A_189 : i32 to index
        %get3A_191 = tpu.vector_load %arg7[%get3A_190] {strides = array<i32>} : memref<16384xf32, #tpu.memory_space<vmem>>, vector<16xf32>,
        %mul3A_192 = arith.mulf %get3A_191, %gather3A_187 : vector<16xf32>
        %swap3A_193 = arith.index_cast %add3A_189 : i32 to index
        %swap3A_194 = tpu.vector_load %arg7[%swap3A_193] {strides = array<i32>} : memref<16384xf32, #tpu.memory_space<vmem>>, vector<16xf32>,
        tpu.vector_store %arg7[%swap3A_193], %mul3A_192 {strides = array<i32>} : memref<16384xf32, #tpu.memory_space<vmem>>, vector<16xf32>,
      }
      %scan3A_38 = arith.constant 256 : i32
      "tpu.region"() ({
        %run_scoped3A_54 = tpu.sem_alloc : memref<!tpu.dma_semaphore, #tpu.memory_space<semaphore_mem>>
        %dma_start3A = arith.constant 4096 : i32
        %dma_start3A_55 = tpu.memref_slice %arg2[%add3A_33, %dma_start3A] : memref<26x16384xi32, #tpu.memory_space<hbm>> -> memref<1x4096xi32, #tpu.memory_space<hbm>>
        %dma_start3A_56 = tpu.memref_squeeze %dma_start3A_55 : memref<1x4096xi32, #tpu.memory_space<hbm>> -> memref<4096xi32, #tpu.memory_space<hbm>>
        %dma_start3A_57 = arith.constant 4096 : i32
        %dma_start3A_58 = tpu.memref_slice %arg2[%add3A_33, %dma_start3A_57] : memref<26x16384xi32, #tpu.memory_space<hbm>> -> memref<1x4096xi32, #tpu.memory_space<hbm>>
        %dma_start3A_59 = tpu.memref_squeeze %dma_start3A_58 : memref<1x4096xi32, #tpu.memory_space<hbm>> -> memref<4096xi32, #tpu.memory_space<hbm>>
        tpu.enqueue_dma source(%dma_start3A_59 : memref<4096xi32, #tpu.memory_space<hbm>>) target(%arg8 : memref<4096xi32, #tpu.memory_space<vmem>>) target_semaphore(%run_scoped3A_54 : memref<!tpu.dma_semaphore, #tpu.memory_space<semaphore_mem>>)
        %dma_wait3A = arith.constant 4096 : i32
        %dma_wait3A_60 = tpu.memref_slice %arg2[%add3A_33, %dma_wait3A] : memref<26x16384xi32, #tpu.memory_space<hbm>> -> memref<1x4096xi32, #tpu.memory_space<hbm>>
        %dma_wait3A_61 = tpu.memref_squeeze %dma_wait3A_60 : memref<1x4096xi32, #tpu.memory_space<hbm>> -> memref<4096xi32, #tpu.memory_space<hbm>>
        %dma_wait3A_62 = arith.constant 4096 : i32
        %dma_wait3A_63 = tpu.memref_slice %arg2[%add3A_33, %dma_wait3A_62] : memref<26x16384xi32, #tpu.memory_space<hbm>> -> memref<1x4096xi32, #tpu.memory_space<hbm>>
        %dma_wait3A_64 = tpu.memref_squeeze %dma_wait3A_63 : memref<1x4096xi32, #tpu.memory_space<hbm>> -> memref<4096xi32, #tpu.memory_space<hbm>>
        tpu.wait_dma2 semaphore(%run_scoped3A_54 : memref<!tpu.dma_semaphore, #tpu.memory_space<semaphore_mem>>) src(%dma_wait3A_64 : memref<4096xi32, #tpu.memory_space<hbm>>) dst(%arg8 : memref<4096xi32, #tpu.memory_space<vmem>>)
        tpu.yield
      }) : () -> ()
      %scan3A_39 = arith.constant 0 : i32
      %scan3A_40 = arith.constant 256 : i32
      %scan3A_41 = arith.addi %scan3A_39, %scan3A_40 : i32
      %scan3A_42 = arith.constant 8 : i32
      scf.for %scan3A_54 = %scan3A_39 to %scan3A_41 step %scan3A_42  : i32 {
        %mul3A_55 = arith.constant 1 : i32
        %mul3A_56 = arith.muli %scan3A_54, %mul3A_55 : i32
        %add3A_57 = arith.constant 0 : i32
        %add3A_58 = arith.addi %add3A_57, %mul3A_56 : i32
        %mul3A_59 = arith.constant 16 : i32
        %mul3A_60 = arith.muli %add3A_58, %mul3A_59 : i32
        %get3A = arith.index_cast %mul3A_60 : i32 to index
        %get3A_61 = tpu.vector_load %arg8[%get3A] {strides = array<i32>} : memref<4096xi32, #tpu.memory_space<vmem>>, vector<16xi32>,
        %gather3A_62 = tpu.vector_load_idx %arg6[%get3A_61] : memref<100000xf32, #tpu.memory_space<vmem>>[vector<16xi32>], vector<16xf32>,
        %add3A_63 = arith.constant 4096 : i32
        %add3A_64 = arith.addi %add3A_63, %mul3A_60 : i32
        %get3A_65 = arith.index_cast %add3A_64 : i32 to index
        %get3A_66 = tpu.vector_load %arg7[%get3A_65] {strides = array<i32>} : memref<16384xf32, #tpu.memory_space<vmem>>, vector<16xf32>,
        %mul3A_67 = arith.mulf %get3A_66, %gather3A_62 : vector<16xf32>
        %swap3A = arith.index_cast %add3A_64 : i32 to index
        %swap3A_68 = tpu.vector_load %arg7[%swap3A] {strides = array<i32>} : memref<16384xf32, #tpu.memory_space<vmem>>, vector<16xf32>,
        tpu.vector_store %arg7[%swap3A], %mul3A_67 {strides = array<i32>} : memref<16384xf32, #tpu.memory_space<vmem>>, vector<16xf32>,
        %scan3A_69 = arith.constant 1 : i32
        %scan3A_70 = arith.addi %scan3A_54, %scan3A_69 : i32
        %mul3A_71 = arith.constant 1 : i32
        %mul3A_72 = arith.muli %scan3A_70, %mul3A_71 : i32
        %add3A_73 = arith.constant 0 : i32
        %add3A_74 = arith.addi %add3A_73, %mul3A_72 : i32
        %mul3A_75 = arith.constant 16 : i32
        %mul3A_76 = arith.muli %add3A_74, %mul3A_75 : i32
        %get3A_77 = arith.index_cast %mul3A_76 : i32 to index
        %get3A_78 = tpu.vector_load %arg8[%get3A_77] {strides = array<i32>} : memref<4096xi32, #tpu.memory_space<vmem>>, vector<16xi32>,
        %gather3A_79 = tpu.vector_load_idx %arg6[%get3A_78] : memref<100000xf32, #tpu.memory_space<vmem>>[vector<16xi32>], vector<16xf32>,
        %add3A_80 = arith.constant 4096 : i32
        %add3A_81 = arith.addi %add3A_80, %mul3A_76 : i32
        %get3A_82 = arith.index_cast %add3A_81 : i32 to index
        %get3A_83 = tpu.vector_load %arg7[%get3A_82] {strides = array<i32>} : memref<16384xf32, #tpu.memory_space<vmem>>, vector<16xf32>,
        %mul3A_84 = arith.mulf %get3A_83, %gather3A_79 : vector<16xf32>
        %swap3A_85 = arith.index_cast %add3A_81 : i32 to index
        %swap3A_86 = tpu.vector_load %arg7[%swap3A_85] {strides = array<i32>} : memref<16384xf32, #tpu.memory_space<vmem>>, vector<16xf32>,
        tpu.vector_store %arg7[%swap3A_85], %mul3A_84 {strides = array<i32>} : memref<16384xf32, #tpu.memory_space<vmem>>, vector<16xf32>,
        %scan3A_87 = arith.constant 2 : i32
        %scan3A_88 = arith.addi %scan3A_54, %scan3A_87 : i32
        %mul3A_89 = arith.constant 1 : i32
        %mul3A_90 = arith.muli %scan3A_88, %mul3A_89 : i32
        %add3A_91 = arith.constant 0 : i32
        %add3A_92 = arith.addi %add3A_91, %mul3A_90 : i32
        %mul3A_93 = arith.constant 16 : i32
        %mul3A_94 = arith.muli %add3A_92, %mul3A_93 : i32
        %get3A_95 = arith.index_cast %mul3A_94 : i32 to index
        %get3A_96 = tpu.vector_load %arg8[%get3A_95] {strides = array<i32>} : memref<4096xi32, #tpu.memory_space<vmem>>, vector<16xi32>,
        %gather3A_97 = tpu.vector_load_idx %arg6[%get3A_96] : memref<100000xf32, #tpu.memory_space<vmem>>[vector<16xi32>], vector<16xf32>,
        %add3A_98 = arith.constant 4096 : i32
        %add3A_99 = arith.addi %add3A_98, %mul3A_94 : i32
        %get3A_100 = arith.index_cast %add3A_99 : i32 to index
        %get3A_101 = tpu.vector_load %arg7[%get3A_100] {strides = array<i32>} : memref<16384xf32, #tpu.memory_space<vmem>>, vector<16xf32>,
        %mul3A_102 = arith.mulf %get3A_101, %gather3A_97 : vector<16xf32>
        %swap3A_103 = arith.index_cast %add3A_99 : i32 to index
        %swap3A_104 = tpu.vector_load %arg7[%swap3A_103] {strides = array<i32>} : memref<16384xf32, #tpu.memory_space<vmem>>, vector<16xf32>,
        tpu.vector_store %arg7[%swap3A_103], %mul3A_102 {strides = array<i32>} : memref<16384xf32, #tpu.memory_space<vmem>>, vector<16xf32>,
        %scan3A_105 = arith.constant 3 : i32
        %scan3A_106 = arith.addi %scan3A_54, %scan3A_105 : i32
        %mul3A_107 = arith.constant 1 : i32
        %mul3A_108 = arith.muli %scan3A_106, %mul3A_107 : i32
        %add3A_109 = arith.constant 0 : i32
        %add3A_110 = arith.addi %add3A_109, %mul3A_108 : i32
        %mul3A_111 = arith.constant 16 : i32
        %mul3A_112 = arith.muli %add3A_110, %mul3A_111 : i32
        %get3A_113 = arith.index_cast %mul3A_112 : i32 to index
        %get3A_114 = tpu.vector_load %arg8[%get3A_113] {strides = array<i32>} : memref<4096xi32, #tpu.memory_space<vmem>>, vector<16xi32>,
        %gather3A_115 = tpu.vector_load_idx %arg6[%get3A_114] : memref<100000xf32, #tpu.memory_space<vmem>>[vector<16xi32>], vector<16xf32>,
        %add3A_116 = arith.constant 4096 : i32
        %add3A_117 = arith.addi %add3A_116, %mul3A_112 : i32
        %get3A_118 = arith.index_cast %add3A_117 : i32 to index
        %get3A_119 = tpu.vector_load %arg7[%get3A_118] {strides = array<i32>} : memref<16384xf32, #tpu.memory_space<vmem>>, vector<16xf32>,
        %mul3A_120 = arith.mulf %get3A_119, %gather3A_115 : vector<16xf32>
        %swap3A_121 = arith.index_cast %add3A_117 : i32 to index
        %swap3A_122 = tpu.vector_load %arg7[%swap3A_121] {strides = array<i32>} : memref<16384xf32, #tpu.memory_space<vmem>>, vector<16xf32>,
        tpu.vector_store %arg7[%swap3A_121], %mul3A_120 {strides = array<i32>} : memref<16384xf32, #tpu.memory_space<vmem>>, vector<16xf32>,
        %scan3A_123 = arith.constant 4 : i32
        %scan3A_124 = arith.addi %scan3A_54, %scan3A_123 : i32
        %mul3A_125 = arith.constant 1 : i32
        %mul3A_126 = arith.muli %scan3A_124, %mul3A_125 : i32
        %add3A_127 = arith.constant 0 : i32
        %add3A_128 = arith.addi %add3A_127, %mul3A_126 : i32
        %mul3A_129 = arith.constant 16 : i32
        %mul3A_130 = arith.muli %add3A_128, %mul3A_129 : i32
        %get3A_131 = arith.index_cast %mul3A_130 : i32 to index
        %get3A_132 = tpu.vector_load %arg8[%get3A_131] {strides = array<i32>} : memref<4096xi32, #tpu.memory_space<vmem>>, vector<16xi32>,
        %gather3A_133 = tpu.vector_load_idx %arg6[%get3A_132] : memref<100000xf32, #tpu.memory_space<vmem>>[vector<16xi32>], vector<16xf32>,
        %add3A_134 = arith.constant 4096 : i32
        %add3A_135 = arith.addi %add3A_134, %mul3A_130 : i32
        %get3A_136 = arith.index_cast %add3A_135 : i32 to index
        %get3A_137 = tpu.vector_load %arg7[%get3A_136] {strides = array<i32>} : memref<16384xf32, #tpu.memory_space<vmem>>, vector<16xf32>,
        %mul3A_138 = arith.mulf %get3A_137, %gather3A_133 : vector<16xf32>
        %swap3A_139 = arith.index_cast %add3A_135 : i32 to index
        %swap3A_140 = tpu.vector_load %arg7[%swap3A_139] {strides = array<i32>} : memref<16384xf32, #tpu.memory_space<vmem>>, vector<16xf32>,
        tpu.vector_store %arg7[%swap3A_139], %mul3A_138 {strides = array<i32>} : memref<16384xf32, #tpu.memory_space<vmem>>, vector<16xf32>,
        %scan3A_141 = arith.constant 5 : i32
        %scan3A_142 = arith.addi %scan3A_54, %scan3A_141 : i32
        %mul3A_143 = arith.constant 1 : i32
        %mul3A_144 = arith.muli %scan3A_142, %mul3A_143 : i32
        %add3A_145 = arith.constant 0 : i32
        %add3A_146 = arith.addi %add3A_145, %mul3A_144 : i32
        %mul3A_147 = arith.constant 16 : i32
        %mul3A_148 = arith.muli %add3A_146, %mul3A_147 : i32
        %get3A_149 = arith.index_cast %mul3A_148 : i32 to index
        %get3A_150 = tpu.vector_load %arg8[%get3A_149] {strides = array<i32>} : memref<4096xi32, #tpu.memory_space<vmem>>, vector<16xi32>,
        %gather3A_151 = tpu.vector_load_idx %arg6[%get3A_150] : memref<100000xf32, #tpu.memory_space<vmem>>[vector<16xi32>], vector<16xf32>,
        %add3A_152 = arith.constant 4096 : i32
        %add3A_153 = arith.addi %add3A_152, %mul3A_148 : i32
        %get3A_154 = arith.index_cast %add3A_153 : i32 to index
        %get3A_155 = tpu.vector_load %arg7[%get3A_154] {strides = array<i32>} : memref<16384xf32, #tpu.memory_space<vmem>>, vector<16xf32>,
        %mul3A_156 = arith.mulf %get3A_155, %gather3A_151 : vector<16xf32>
        %swap3A_157 = arith.index_cast %add3A_153 : i32 to index
        %swap3A_158 = tpu.vector_load %arg7[%swap3A_157] {strides = array<i32>} : memref<16384xf32, #tpu.memory_space<vmem>>, vector<16xf32>,
        tpu.vector_store %arg7[%swap3A_157], %mul3A_156 {strides = array<i32>} : memref<16384xf32, #tpu.memory_space<vmem>>, vector<16xf32>,
        %scan3A_159 = arith.constant 6 : i32
        %scan3A_160 = arith.addi %scan3A_54, %scan3A_159 : i32
        %mul3A_161 = arith.constant 1 : i32
        %mul3A_162 = arith.muli %scan3A_160, %mul3A_161 : i32
        %add3A_163 = arith.constant 0 : i32
        %add3A_164 = arith.addi %add3A_163, %mul3A_162 : i32
        %mul3A_165 = arith.constant 16 : i32
        %mul3A_166 = arith.muli %add3A_164, %mul3A_165 : i32
        %get3A_167 = arith.index_cast %mul3A_166 : i32 to index
        %get3A_168 = tpu.vector_load %arg8[%get3A_167] {strides = array<i32>} : memref<4096xi32, #tpu.memory_space<vmem>>, vector<16xi32>,
        %gather3A_169 = tpu.vector_load_idx %arg6[%get3A_168] : memref<100000xf32, #tpu.memory_space<vmem>>[vector<16xi32>], vector<16xf32>,
        %add3A_170 = arith.constant 4096 : i32
        %add3A_171 = arith.addi %add3A_170, %mul3A_166 : i32
        %get3A_172 = arith.index_cast %add3A_171 : i32 to index
        %get3A_173 = tpu.vector_load %arg7[%get3A_172] {strides = array<i32>} : memref<16384xf32, #tpu.memory_space<vmem>>, vector<16xf32>,
        %mul3A_174 = arith.mulf %get3A_173, %gather3A_169 : vector<16xf32>
        %swap3A_175 = arith.index_cast %add3A_171 : i32 to index
        %swap3A_176 = tpu.vector_load %arg7[%swap3A_175] {strides = array<i32>} : memref<16384xf32, #tpu.memory_space<vmem>>, vector<16xf32>,
        tpu.vector_store %arg7[%swap3A_175], %mul3A_174 {strides = array<i32>} : memref<16384xf32, #tpu.memory_space<vmem>>, vector<16xf32>,
        %scan3A_177 = arith.constant 7 : i32
        %scan3A_178 = arith.addi %scan3A_54, %scan3A_177 : i32
        %mul3A_179 = arith.constant 1 : i32
        %mul3A_180 = arith.muli %scan3A_178, %mul3A_179 : i32
        %add3A_181 = arith.constant 0 : i32
        %add3A_182 = arith.addi %add3A_181, %mul3A_180 : i32
        %mul3A_183 = arith.constant 16 : i32
        %mul3A_184 = arith.muli %add3A_182, %mul3A_183 : i32
        %get3A_185 = arith.index_cast %mul3A_184 : i32 to index
        %get3A_186 = tpu.vector_load %arg8[%get3A_185] {strides = array<i32>} : memref<4096xi32, #tpu.memory_space<vmem>>, vector<16xi32>,
        %gather3A_187 = tpu.vector_load_idx %arg6[%get3A_186] : memref<100000xf32, #tpu.memory_space<vmem>>[vector<16xi32>], vector<16xf32>,
        %add3A_188 = arith.constant 4096 : i32
        %add3A_189 = arith.addi %add3A_188, %mul3A_184 : i32
        %get3A_190 = arith.index_cast %add3A_189 : i32 to index
        %get3A_191 = tpu.vector_load %arg7[%get3A_190] {strides = array<i32>} : memref<16384xf32, #tpu.memory_space<vmem>>, vector<16xf32>,
        %mul3A_192 = arith.mulf %get3A_191, %gather3A_187 : vector<16xf32>
        %swap3A_193 = arith.index_cast %add3A_189 : i32 to index
        %swap3A_194 = tpu.vector_load %arg7[%swap3A_193] {strides = array<i32>} : memref<16384xf32, #tpu.memory_space<vmem>>, vector<16xf32>,
        tpu.vector_store %arg7[%swap3A_193], %mul3A_192 {strides = array<i32>} : memref<16384xf32, #tpu.memory_space<vmem>>, vector<16xf32>,
      }
      %scan3A_43 = arith.constant 256 : i32
      "tpu.region"() ({
        %run_scoped3A_54 = tpu.sem_alloc : memref<!tpu.dma_semaphore, #tpu.memory_space<semaphore_mem>>
        %dma_start3A = arith.constant 8192 : i32
        %dma_start3A_55 = tpu.memref_slice %arg2[%add3A_33, %dma_start3A] : memref<26x16384xi32, #tpu.memory_space<hbm>> -> memref<1x4096xi32, #tpu.memory_space<hbm>>
        %dma_start3A_56 = tpu.memref_squeeze %dma_start3A_55 : memref<1x4096xi32, #tpu.memory_space<hbm>> -> memref<4096xi32, #tpu.memory_space<hbm>>
        %dma_start3A_57 = arith.constant 8192 : i32
        %dma_start3A_58 = tpu.memref_slice %arg2[%add3A_33, %dma_start3A_57] : memref<26x16384xi32, #tpu.memory_space<hbm>> -> memref<1x4096xi32, #tpu.memory_space<hbm>>
        %dma_start3A_59 = tpu.memref_squeeze %dma_start3A_58 : memref<1x4096xi32, #tpu.memory_space<hbm>> -> memref<4096xi32, #tpu.memory_space<hbm>>
        tpu.enqueue_dma source(%dma_start3A_59 : memref<4096xi32, #tpu.memory_space<hbm>>) target(%arg8 : memref<4096xi32, #tpu.memory_space<vmem>>) target_semaphore(%run_scoped3A_54 : memref<!tpu.dma_semaphore, #tpu.memory_space<semaphore_mem>>)
        %dma_wait3A = arith.constant 8192 : i32
        %dma_wait3A_60 = tpu.memref_slice %arg2[%add3A_33, %dma_wait3A] : memref<26x16384xi32, #tpu.memory_space<hbm>> -> memref<1x4096xi32, #tpu.memory_space<hbm>>
        %dma_wait3A_61 = tpu.memref_squeeze %dma_wait3A_60 : memref<1x4096xi32, #tpu.memory_space<hbm>> -> memref<4096xi32, #tpu.memory_space<hbm>>
        %dma_wait3A_62 = arith.constant 8192 : i32
        %dma_wait3A_63 = tpu.memref_slice %arg2[%add3A_33, %dma_wait3A_62] : memref<26x16384xi32, #tpu.memory_space<hbm>> -> memref<1x4096xi32, #tpu.memory_space<hbm>>
        %dma_wait3A_64 = tpu.memref_squeeze %dma_wait3A_63 : memref<1x4096xi32, #tpu.memory_space<hbm>> -> memref<4096xi32, #tpu.memory_space<hbm>>
        tpu.wait_dma2 semaphore(%run_scoped3A_54 : memref<!tpu.dma_semaphore, #tpu.memory_space<semaphore_mem>>) src(%dma_wait3A_64 : memref<4096xi32, #tpu.memory_space<hbm>>) dst(%arg8 : memref<4096xi32, #tpu.memory_space<vmem>>)
        tpu.yield
      }) : () -> ()
      %scan3A_44 = arith.constant 0 : i32
      %scan3A_45 = arith.constant 256 : i32
      %scan3A_46 = arith.addi %scan3A_44, %scan3A_45 : i32
      %scan3A_47 = arith.constant 8 : i32
      scf.for %scan3A_54 = %scan3A_44 to %scan3A_46 step %scan3A_47  : i32 {
        %mul3A_55 = arith.constant 1 : i32
        %mul3A_56 = arith.muli %scan3A_54, %mul3A_55 : i32
        %add3A_57 = arith.constant 0 : i32
        %add3A_58 = arith.addi %add3A_57, %mul3A_56 : i32
        %mul3A_59 = arith.constant 16 : i32
        %mul3A_60 = arith.muli %add3A_58, %mul3A_59 : i32
        %get3A = arith.index_cast %mul3A_60 : i32 to index
        %get3A_61 = tpu.vector_load %arg8[%get3A] {strides = array<i32>} : memref<4096xi32, #tpu.memory_space<vmem>>, vector<16xi32>,
        %gather3A_62 = tpu.vector_load_idx %arg6[%get3A_61] : memref<100000xf32, #tpu.memory_space<vmem>>[vector<16xi32>], vector<16xf32>,
        %add3A_63 = arith.constant 8192 : i32
        %add3A_64 = arith.addi %add3A_63, %mul3A_60 : i32
        %get3A_65 = arith.index_cast %add3A_64 : i32 to index
        %get3A_66 = tpu.vector_load %arg7[%get3A_65] {strides = array<i32>} : memref<16384xf32, #tpu.memory_space<vmem>>, vector<16xf32>,
        %mul3A_67 = arith.mulf %get3A_66, %gather3A_62 : vector<16xf32>
        %swap3A = arith.index_cast %add3A_64 : i32 to index
        %swap3A_68 = tpu.vector_load %arg7[%swap3A] {strides = array<i32>} : memref<16384xf32, #tpu.memory_space<vmem>>, vector<16xf32>,
        tpu.vector_store %arg7[%swap3A], %mul3A_67 {strides = array<i32>} : memref<16384xf32, #tpu.memory_space<vmem>>, vector<16xf32>,
        %scan3A_69 = arith.constant 1 : i32
        %scan3A_70 = arith.addi %scan3A_54, %scan3A_69 : i32
        %mul3A_71 = arith.constant 1 : i32
        %mul3A_72 = arith.muli %scan3A_70, %mul3A_71 : i32
        %add3A_73 = arith.constant 0 : i32
        %add3A_74 = arith.addi %add3A_73, %mul3A_72 : i32
        %mul3A_75 = arith.constant 16 : i32
        %mul3A_76 = arith.muli %add3A_74, %mul3A_75 : i32
        %get3A_77 = arith.index_cast %mul3A_76 : i32 to index
        %get3A_78 = tpu.vector_load %arg8[%get3A_77] {strides = array<i32>} : memref<4096xi32, #tpu.memory_space<vmem>>, vector<16xi32>,
        %gather3A_79 = tpu.vector_load_idx %arg6[%get3A_78] : memref<100000xf32, #tpu.memory_space<vmem>>[vector<16xi32>], vector<16xf32>,
        %add3A_80 = arith.constant 8192 : i32
        %add3A_81 = arith.addi %add3A_80, %mul3A_76 : i32
        %get3A_82 = arith.index_cast %add3A_81 : i32 to index
        %get3A_83 = tpu.vector_load %arg7[%get3A_82] {strides = array<i32>} : memref<16384xf32, #tpu.memory_space<vmem>>, vector<16xf32>,
        %mul3A_84 = arith.mulf %get3A_83, %gather3A_79 : vector<16xf32>
        %swap3A_85 = arith.index_cast %add3A_81 : i32 to index
        %swap3A_86 = tpu.vector_load %arg7[%swap3A_85] {strides = array<i32>} : memref<16384xf32, #tpu.memory_space<vmem>>, vector<16xf32>,
        tpu.vector_store %arg7[%swap3A_85], %mul3A_84 {strides = array<i32>} : memref<16384xf32, #tpu.memory_space<vmem>>, vector<16xf32>,
        %scan3A_87 = arith.constant 2 : i32
        %scan3A_88 = arith.addi %scan3A_54, %scan3A_87 : i32
        %mul3A_89 = arith.constant 1 : i32
        %mul3A_90 = arith.muli %scan3A_88, %mul3A_89 : i32
        %add3A_91 = arith.constant 0 : i32
        %add3A_92 = arith.addi %add3A_91, %mul3A_90 : i32
        %mul3A_93 = arith.constant 16 : i32
        %mul3A_94 = arith.muli %add3A_92, %mul3A_93 : i32
        %get3A_95 = arith.index_cast %mul3A_94 : i32 to index
        %get3A_96 = tpu.vector_load %arg8[%get3A_95] {strides = array<i32>} : memref<4096xi32, #tpu.memory_space<vmem>>, vector<16xi32>,
        %gather3A_97 = tpu.vector_load_idx %arg6[%get3A_96] : memref<100000xf32, #tpu.memory_space<vmem>>[vector<16xi32>], vector<16xf32>,
        %add3A_98 = arith.constant 8192 : i32
        %add3A_99 = arith.addi %add3A_98, %mul3A_94 : i32
        %get3A_100 = arith.index_cast %add3A_99 : i32 to index
        %get3A_101 = tpu.vector_load %arg7[%get3A_100] {strides = array<i32>} : memref<16384xf32, #tpu.memory_space<vmem>>, vector<16xf32>,
        %mul3A_102 = arith.mulf %get3A_101, %gather3A_97 : vector<16xf32>
        %swap3A_103 = arith.index_cast %add3A_99 : i32 to index
        %swap3A_104 = tpu.vector_load %arg7[%swap3A_103] {strides = array<i32>} : memref<16384xf32, #tpu.memory_space<vmem>>, vector<16xf32>,
        tpu.vector_store %arg7[%swap3A_103], %mul3A_102 {strides = array<i32>} : memref<16384xf32, #tpu.memory_space<vmem>>, vector<16xf32>,
        %scan3A_105 = arith.constant 3 : i32
        %scan3A_106 = arith.addi %scan3A_54, %scan3A_105 : i32
        %mul3A_107 = arith.constant 1 : i32
        %mul3A_108 = arith.muli %scan3A_106, %mul3A_107 : i32
        %add3A_109 = arith.constant 0 : i32
        %add3A_110 = arith.addi %add3A_109, %mul3A_108 : i32
        %mul3A_111 = arith.constant 16 : i32
        %mul3A_112 = arith.muli %add3A_110, %mul3A_111 : i32
        %get3A_113 = arith.index_cast %mul3A_112 : i32 to index
        %get3A_114 = tpu.vector_load %arg8[%get3A_113] {strides = array<i32>} : memref<4096xi32, #tpu.memory_space<vmem>>, vector<16xi32>,
        %gather3A_115 = tpu.vector_load_idx %arg6[%get3A_114] : memref<100000xf32, #tpu.memory_space<vmem>>[vector<16xi32>], vector<16xf32>,
        %add3A_116 = arith.constant 8192 : i32
        %add3A_117 = arith.addi %add3A_116, %mul3A_112 : i32
        %get3A_118 = arith.index_cast %add3A_117 : i32 to index
        %get3A_119 = tpu.vector_load %arg7[%get3A_118] {strides = array<i32>} : memref<16384xf32, #tpu.memory_space<vmem>>, vector<16xf32>,
        %mul3A_120 = arith.mulf %get3A_119, %gather3A_115 : vector<16xf32>
        %swap3A_121 = arith.index_cast %add3A_117 : i32 to index
        %swap3A_122 = tpu.vector_load %arg7[%swap3A_121] {strides = array<i32>} : memref<16384xf32, #tpu.memory_space<vmem>>, vector<16xf32>,
        tpu.vector_store %arg7[%swap3A_121], %mul3A_120 {strides = array<i32>} : memref<16384xf32, #tpu.memory_space<vmem>>, vector<16xf32>,
        %scan3A_123 = arith.constant 4 : i32
        %scan3A_124 = arith.addi %scan3A_54, %scan3A_123 : i32
        %mul3A_125 = arith.constant 1 : i32
        %mul3A_126 = arith.muli %scan3A_124, %mul3A_125 : i32
        %add3A_127 = arith.constant 0 : i32
        %add3A_128 = arith.addi %add3A_127, %mul3A_126 : i32
        %mul3A_129 = arith.constant 16 : i32
        %mul3A_130 = arith.muli %add3A_128, %mul3A_129 : i32
        %get3A_131 = arith.index_cast %mul3A_130 : i32 to index
        %get3A_132 = tpu.vector_load %arg8[%get3A_131] {strides = array<i32>} : memref<4096xi32, #tpu.memory_space<vmem>>, vector<16xi32>,
        %gather3A_133 = tpu.vector_load_idx %arg6[%get3A_132] : memref<100000xf32, #tpu.memory_space<vmem>>[vector<16xi32>], vector<16xf32>,
        %add3A_134 = arith.constant 8192 : i32
        %add3A_135 = arith.addi %add3A_134, %mul3A_130 : i32
        %get3A_136 = arith.index_cast %add3A_135 : i32 to index
        %get3A_137 = tpu.vector_load %arg7[%get3A_136] {strides = array<i32>} : memref<16384xf32, #tpu.memory_space<vmem>>, vector<16xf32>,
        %mul3A_138 = arith.mulf %get3A_137, %gather3A_133 : vector<16xf32>
        %swap3A_139 = arith.index_cast %add3A_135 : i32 to index
        %swap3A_140 = tpu.vector_load %arg7[%swap3A_139] {strides = array<i32>} : memref<16384xf32, #tpu.memory_space<vmem>>, vector<16xf32>,
        tpu.vector_store %arg7[%swap3A_139], %mul3A_138 {strides = array<i32>} : memref<16384xf32, #tpu.memory_space<vmem>>, vector<16xf32>,
        %scan3A_141 = arith.constant 5 : i32
        %scan3A_142 = arith.addi %scan3A_54, %scan3A_141 : i32
        %mul3A_143 = arith.constant 1 : i32
        %mul3A_144 = arith.muli %scan3A_142, %mul3A_143 : i32
        %add3A_145 = arith.constant 0 : i32
        %add3A_146 = arith.addi %add3A_145, %mul3A_144 : i32
        %mul3A_147 = arith.constant 16 : i32
        %mul3A_148 = arith.muli %add3A_146, %mul3A_147 : i32
        %get3A_149 = arith.index_cast %mul3A_148 : i32 to index
        %get3A_150 = tpu.vector_load %arg8[%get3A_149] {strides = array<i32>} : memref<4096xi32, #tpu.memory_space<vmem>>, vector<16xi32>,
        %gather3A_151 = tpu.vector_load_idx %arg6[%get3A_150] : memref<100000xf32, #tpu.memory_space<vmem>>[vector<16xi32>], vector<16xf32>,
        %add3A_152 = arith.constant 8192 : i32
        %add3A_153 = arith.addi %add3A_152, %mul3A_148 : i32
        %get3A_154 = arith.index_cast %add3A_153 : i32 to index
        %get3A_155 = tpu.vector_load %arg7[%get3A_154] {strides = array<i32>} : memref<16384xf32, #tpu.memory_space<vmem>>, vector<16xf32>,
        %mul3A_156 = arith.mulf %get3A_155, %gather3A_151 : vector<16xf32>
        %swap3A_157 = arith.index_cast %add3A_153 : i32 to index
        %swap3A_158 = tpu.vector_load %arg7[%swap3A_157] {strides = array<i32>} : memref<16384xf32, #tpu.memory_space<vmem>>, vector<16xf32>,
        tpu.vector_store %arg7[%swap3A_157], %mul3A_156 {strides = array<i32>} : memref<16384xf32, #tpu.memory_space<vmem>>, vector<16xf32>,
        %scan3A_159 = arith.constant 6 : i32
        %scan3A_160 = arith.addi %scan3A_54, %scan3A_159 : i32
        %mul3A_161 = arith.constant 1 : i32
        %mul3A_162 = arith.muli %scan3A_160, %mul3A_161 : i32
        %add3A_163 = arith.constant 0 : i32
        %add3A_164 = arith.addi %add3A_163, %mul3A_162 : i32
        %mul3A_165 = arith.constant 16 : i32
        %mul3A_166 = arith.muli %add3A_164, %mul3A_165 : i32
        %get3A_167 = arith.index_cast %mul3A_166 : i32 to index
        %get3A_168 = tpu.vector_load %arg8[%get3A_167] {strides = array<i32>} : memref<4096xi32, #tpu.memory_space<vmem>>, vector<16xi32>,
        %gather3A_169 = tpu.vector_load_idx %arg6[%get3A_168] : memref<100000xf32, #tpu.memory_space<vmem>>[vector<16xi32>], vector<16xf32>,
        %add3A_170 = arith.constant 8192 : i32
        %add3A_171 = arith.addi %add3A_170, %mul3A_166 : i32
        %get3A_172 = arith.index_cast %add3A_171 : i32 to index
        %get3A_173 = tpu.vector_load %arg7[%get3A_172] {strides = array<i32>} : memref<16384xf32, #tpu.memory_space<vmem>>, vector<16xf32>,
        %mul3A_174 = arith.mulf %get3A_173, %gather3A_169 : vector<16xf32>
        %swap3A_175 = arith.index_cast %add3A_171 : i32 to index
        %swap3A_176 = tpu.vector_load %arg7[%swap3A_175] {strides = array<i32>} : memref<16384xf32, #tpu.memory_space<vmem>>, vector<16xf32>,
        tpu.vector_store %arg7[%swap3A_175], %mul3A_174 {strides = array<i32>} : memref<16384xf32, #tpu.memory_space<vmem>>, vector<16xf32>,
        %scan3A_177 = arith.constant 7 : i32
        %scan3A_178 = arith.addi %scan3A_54, %scan3A_177 : i32
        %mul3A_179 = arith.constant 1 : i32
        %mul3A_180 = arith.muli %scan3A_178, %mul3A_179 : i32
        %add3A_181 = arith.constant 0 : i32
        %add3A_182 = arith.addi %add3A_181, %mul3A_180 : i32
        %mul3A_183 = arith.constant 16 : i32
        %mul3A_184 = arith.muli %add3A_182, %mul3A_183 : i32
        %get3A_185 = arith.index_cast %mul3A_184 : i32 to index
        %get3A_186 = tpu.vector_load %arg8[%get3A_185] {strides = array<i32>} : memref<4096xi32, #tpu.memory_space<vmem>>, vector<16xi32>,
        %gather3A_187 = tpu.vector_load_idx %arg6[%get3A_186] : memref<100000xf32, #tpu.memory_space<vmem>>[vector<16xi32>], vector<16xf32>,
        %add3A_188 = arith.constant 8192 : i32
        %add3A_189 = arith.addi %add3A_188, %mul3A_184 : i32
        %get3A_190 = arith.index_cast %add3A_189 : i32 to index
        %get3A_191 = tpu.vector_load %arg7[%get3A_190] {strides = array<i32>} : memref<16384xf32, #tpu.memory_space<vmem>>, vector<16xf32>,
        %mul3A_192 = arith.mulf %get3A_191, %gather3A_187 : vector<16xf32>
        %swap3A_193 = arith.index_cast %add3A_189 : i32 to index
        %swap3A_194 = tpu.vector_load %arg7[%swap3A_193] {strides = array<i32>} : memref<16384xf32, #tpu.memory_space<vmem>>, vector<16xf32>,
        tpu.vector_store %arg7[%swap3A_193], %mul3A_192 {strides = array<i32>} : memref<16384xf32, #tpu.memory_space<vmem>>, vector<16xf32>,
      }
      %scan3A_48 = arith.constant 256 : i32
      "tpu.region"() ({
        %run_scoped3A_54 = tpu.sem_alloc : memref<!tpu.dma_semaphore, #tpu.memory_space<semaphore_mem>>
        %dma_start3A = arith.constant 12288 : i32
        %dma_start3A_55 = tpu.memref_slice %arg2[%add3A_33, %dma_start3A] : memref<26x16384xi32, #tpu.memory_space<hbm>> -> memref<1x4096xi32, #tpu.memory_space<hbm>>
        %dma_start3A_56 = tpu.memref_squeeze %dma_start3A_55 : memref<1x4096xi32, #tpu.memory_space<hbm>> -> memref<4096xi32, #tpu.memory_space<hbm>>
        %dma_start3A_57 = arith.constant 12288 : i32
        %dma_start3A_58 = tpu.memref_slice %arg2[%add3A_33, %dma_start3A_57] : memref<26x16384xi32, #tpu.memory_space<hbm>> -> memref<1x4096xi32, #tpu.memory_space<hbm>>
        %dma_start3A_59 = tpu.memref_squeeze %dma_start3A_58 : memref<1x4096xi32, #tpu.memory_space<hbm>> -> memref<4096xi32, #tpu.memory_space<hbm>>
        tpu.enqueue_dma source(%dma_start3A_59 : memref<4096xi32, #tpu.memory_space<hbm>>) target(%arg8 : memref<4096xi32, #tpu.memory_space<vmem>>) target_semaphore(%run_scoped3A_54 : memref<!tpu.dma_semaphore, #tpu.memory_space<semaphore_mem>>)
        %dma_wait3A = arith.constant 12288 : i32
        %dma_wait3A_60 = tpu.memref_slice %arg2[%add3A_33, %dma_wait3A] : memref<26x16384xi32, #tpu.memory_space<hbm>> -> memref<1x4096xi32, #tpu.memory_space<hbm>>
        %dma_wait3A_61 = tpu.memref_squeeze %dma_wait3A_60 : memref<1x4096xi32, #tpu.memory_space<hbm>> -> memref<4096xi32, #tpu.memory_space<hbm>>
        %dma_wait3A_62 = arith.constant 12288 : i32
        %dma_wait3A_63 = tpu.memref_slice %arg2[%add3A_33, %dma_wait3A_62] : memref<26x16384xi32, #tpu.memory_space<hbm>> -> memref<1x4096xi32, #tpu.memory_space<hbm>>
        %dma_wait3A_64 = tpu.memref_squeeze %dma_wait3A_63 : memref<1x4096xi32, #tpu.memory_space<hbm>> -> memref<4096xi32, #tpu.memory_space<hbm>>
        tpu.wait_dma2 semaphore(%run_scoped3A_54 : memref<!tpu.dma_semaphore, #tpu.memory_space<semaphore_mem>>) src(%dma_wait3A_64 : memref<4096xi32, #tpu.memory_space<hbm>>) dst(%arg8 : memref<4096xi32, #tpu.memory_space<vmem>>)
        tpu.yield
      }) : () -> ()
      %scan3A_49 = arith.constant 0 : i32
      %scan3A_50 = arith.constant 256 : i32
      %scan3A_51 = arith.addi %scan3A_49, %scan3A_50 : i32
      %scan3A_52 = arith.constant 8 : i32
      scf.for %scan3A_54 = %scan3A_49 to %scan3A_51 step %scan3A_52  : i32 {
        %mul3A_55 = arith.constant 1 : i32
        %mul3A_56 = arith.muli %scan3A_54, %mul3A_55 : i32
        %add3A_57 = arith.constant 0 : i32
        %add3A_58 = arith.addi %add3A_57, %mul3A_56 : i32
        %mul3A_59 = arith.constant 16 : i32
        %mul3A_60 = arith.muli %add3A_58, %mul3A_59 : i32
        %get3A = arith.index_cast %mul3A_60 : i32 to index
        %get3A_61 = tpu.vector_load %arg8[%get3A] {strides = array<i32>} : memref<4096xi32, #tpu.memory_space<vmem>>, vector<16xi32>,
        %gather3A_62 = tpu.vector_load_idx %arg6[%get3A_61] : memref<100000xf32, #tpu.memory_space<vmem>>[vector<16xi32>], vector<16xf32>,
        %add3A_63 = arith.constant 12288 : i32
        %add3A_64 = arith.addi %add3A_63, %mul3A_60 : i32
        %get3A_65 = arith.index_cast %add3A_64 : i32 to index
        %get3A_66 = tpu.vector_load %arg7[%get3A_65] {strides = array<i32>} : memref<16384xf32, #tpu.memory_space<vmem>>, vector<16xf32>,
        %mul3A_67 = arith.mulf %get3A_66, %gather3A_62 : vector<16xf32>
        %swap3A = arith.index_cast %add3A_64 : i32 to index
        %swap3A_68 = tpu.vector_load %arg7[%swap3A] {strides = array<i32>} : memref<16384xf32, #tpu.memory_space<vmem>>, vector<16xf32>,
        tpu.vector_store %arg7[%swap3A], %mul3A_67 {strides = array<i32>} : memref<16384xf32, #tpu.memory_space<vmem>>, vector<16xf32>,
        %scan3A_69 = arith.constant 1 : i32
        %scan3A_70 = arith.addi %scan3A_54, %scan3A_69 : i32
        %mul3A_71 = arith.constant 1 : i32
        %mul3A_72 = arith.muli %scan3A_70, %mul3A_71 : i32
        %add3A_73 = arith.constant 0 : i32
        %add3A_74 = arith.addi %add3A_73, %mul3A_72 : i32
        %mul3A_75 = arith.constant 16 : i32
        %mul3A_76 = arith.muli %add3A_74, %mul3A_75 : i32
        %get3A_77 = arith.index_cast %mul3A_76 : i32 to index
        %get3A_78 = tpu.vector_load %arg8[%get3A_77] {strides = array<i32>} : memref<4096xi32, #tpu.memory_space<vmem>>, vector<16xi32>,
        %gather3A_79 = tpu.vector_load_idx %arg6[%get3A_78] : memref<100000xf32, #tpu.memory_space<vmem>>[vector<16xi32>], vector<16xf32>,
        %add3A_80 = arith.constant 12288 : i32
        %add3A_81 = arith.addi %add3A_80, %mul3A_76 : i32
        %get3A_82 = arith.index_cast %add3A_81 : i32 to index
        %get3A_83 = tpu.vector_load %arg7[%get3A_82] {strides = array<i32>} : memref<16384xf32, #tpu.memory_space<vmem>>, vector<16xf32>,
        %mul3A_84 = arith.mulf %get3A_83, %gather3A_79 : vector<16xf32>
        %swap3A_85 = arith.index_cast %add3A_81 : i32 to index
        %swap3A_86 = tpu.vector_load %arg7[%swap3A_85] {strides = array<i32>} : memref<16384xf32, #tpu.memory_space<vmem>>, vector<16xf32>,
        tpu.vector_store %arg7[%swap3A_85], %mul3A_84 {strides = array<i32>} : memref<16384xf32, #tpu.memory_space<vmem>>, vector<16xf32>,
        %scan3A_87 = arith.constant 2 : i32
        %scan3A_88 = arith.addi %scan3A_54, %scan3A_87 : i32
        %mul3A_89 = arith.constant 1 : i32
        %mul3A_90 = arith.muli %scan3A_88, %mul3A_89 : i32
        %add3A_91 = arith.constant 0 : i32
        %add3A_92 = arith.addi %add3A_91, %mul3A_90 : i32
        %mul3A_93 = arith.constant 16 : i32
        %mul3A_94 = arith.muli %add3A_92, %mul3A_93 : i32
        %get3A_95 = arith.index_cast %mul3A_94 : i32 to index
        %get3A_96 = tpu.vector_load %arg8[%get3A_95] {strides = array<i32>} : memref<4096xi32, #tpu.memory_space<vmem>>, vector<16xi32>,
        %gather3A_97 = tpu.vector_load_idx %arg6[%get3A_96] : memref<100000xf32, #tpu.memory_space<vmem>>[vector<16xi32>], vector<16xf32>,
        %add3A_98 = arith.constant 12288 : i32
        %add3A_99 = arith.addi %add3A_98, %mul3A_94 : i32
        %get3A_100 = arith.index_cast %add3A_99 : i32 to index
        %get3A_101 = tpu.vector_load %arg7[%get3A_100] {strides = array<i32>} : memref<16384xf32, #tpu.memory_space<vmem>>, vector<16xf32>,
        %mul3A_102 = arith.mulf %get3A_101, %gather3A_97 : vector<16xf32>
        %swap3A_103 = arith.index_cast %add3A_99 : i32 to index
        %swap3A_104 = tpu.vector_load %arg7[%swap3A_103] {strides = array<i32>} : memref<16384xf32, #tpu.memory_space<vmem>>, vector<16xf32>,
        tpu.vector_store %arg7[%swap3A_103], %mul3A_102 {strides = array<i32>} : memref<16384xf32, #tpu.memory_space<vmem>>, vector<16xf32>,
        %scan3A_105 = arith.constant 3 : i32
        %scan3A_106 = arith.addi %scan3A_54, %scan3A_105 : i32
        %mul3A_107 = arith.constant 1 : i32
        %mul3A_108 = arith.muli %scan3A_106, %mul3A_107 : i32
        %add3A_109 = arith.constant 0 : i32
        %add3A_110 = arith.addi %add3A_109, %mul3A_108 : i32
        %mul3A_111 = arith.constant 16 : i32
        %mul3A_112 = arith.muli %add3A_110, %mul3A_111 : i32
        %get3A_113 = arith.index_cast %mul3A_112 : i32 to index
        %get3A_114 = tpu.vector_load %arg8[%get3A_113] {strides = array<i32>} : memref<4096xi32, #tpu.memory_space<vmem>>, vector<16xi32>,
        %gather3A_115 = tpu.vector_load_idx %arg6[%get3A_114] : memref<100000xf32, #tpu.memory_space<vmem>>[vector<16xi32>], vector<16xf32>,
        %add3A_116 = arith.constant 12288 : i32
        %add3A_117 = arith.addi %add3A_116, %mul3A_112 : i32
        %get3A_118 = arith.index_cast %add3A_117 : i32 to index
        %get3A_119 = tpu.vector_load %arg7[%get3A_118] {strides = array<i32>} : memref<16384xf32, #tpu.memory_space<vmem>>, vector<16xf32>,
        %mul3A_120 = arith.mulf %get3A_119, %gather3A_115 : vector<16xf32>
        %swap3A_121 = arith.index_cast %add3A_117 : i32 to index
        %swap3A_122 = tpu.vector_load %arg7[%swap3A_121] {strides = array<i32>} : memref<16384xf32, #tpu.memory_space<vmem>>, vector<16xf32>,
        tpu.vector_store %arg7[%swap3A_121], %mul3A_120 {strides = array<i32>} : memref<16384xf32, #tpu.memory_space<vmem>>, vector<16xf32>,
        %scan3A_123 = arith.constant 4 : i32
        %scan3A_124 = arith.addi %scan3A_54, %scan3A_123 : i32
        %mul3A_125 = arith.constant 1 : i32
        %mul3A_126 = arith.muli %scan3A_124, %mul3A_125 : i32
        %add3A_127 = arith.constant 0 : i32
        %add3A_128 = arith.addi %add3A_127, %mul3A_126 : i32
        %mul3A_129 = arith.constant 16 : i32
        %mul3A_130 = arith.muli %add3A_128, %mul3A_129 : i32
        %get3A_131 = arith.index_cast %mul3A_130 : i32 to index
        %get3A_132 = tpu.vector_load %arg8[%get3A_131] {strides = array<i32>} : memref<4096xi32, #tpu.memory_space<vmem>>, vector<16xi32>,
        %gather3A_133 = tpu.vector_load_idx %arg6[%get3A_132] : memref<100000xf32, #tpu.memory_space<vmem>>[vector<16xi32>], vector<16xf32>,
        %add3A_134 = arith.constant 12288 : i32
        %add3A_135 = arith.addi %add3A_134, %mul3A_130 : i32
        %get3A_136 = arith.index_cast %add3A_135 : i32 to index
        %get3A_137 = tpu.vector_load %arg7[%get3A_136] {strides = array<i32>} : memref<16384xf32, #tpu.memory_space<vmem>>, vector<16xf32>,
        %mul3A_138 = arith.mulf %get3A_137, %gather3A_133 : vector<16xf32>
        %swap3A_139 = arith.index_cast %add3A_135 : i32 to index
        %swap3A_140 = tpu.vector_load %arg7[%swap3A_139] {strides = array<i32>} : memref<16384xf32, #tpu.memory_space<vmem>>, vector<16xf32>,
        tpu.vector_store %arg7[%swap3A_139], %mul3A_138 {strides = array<i32>} : memref<16384xf32, #tpu.memory_space<vmem>>, vector<16xf32>,
        %scan3A_141 = arith.constant 5 : i32
        %scan3A_142 = arith.addi %scan3A_54, %scan3A_141 : i32
        %mul3A_143 = arith.constant 1 : i32
        %mul3A_144 = arith.muli %scan3A_142, %mul3A_143 : i32
        %add3A_145 = arith.constant 0 : i32
        %add3A_146 = arith.addi %add3A_145, %mul3A_144 : i32
        %mul3A_147 = arith.constant 16 : i32
        %mul3A_148 = arith.muli %add3A_146, %mul3A_147 : i32
        %get3A_149 = arith.index_cast %mul3A_148 : i32 to index
        %get3A_150 = tpu.vector_load %arg8[%get3A_149] {strides = array<i32>} : memref<4096xi32, #tpu.memory_space<vmem>>, vector<16xi32>,
        %gather3A_151 = tpu.vector_load_idx %arg6[%get3A_150] : memref<100000xf32, #tpu.memory_space<vmem>>[vector<16xi32>], vector<16xf32>,
        %add3A_152 = arith.constant 12288 : i32
        %add3A_153 = arith.addi %add3A_152, %mul3A_148 : i32
        %get3A_154 = arith.index_cast %add3A_153 : i32 to index
        %get3A_155 = tpu.vector_load %arg7[%get3A_154] {strides = array<i32>} : memref<16384xf32, #tpu.memory_space<vmem>>, vector<16xf32>,
        %mul3A_156 = arith.mulf %get3A_155, %gather3A_151 : vector<16xf32>
        %swap3A_157 = arith.index_cast %add3A_153 : i32 to index
        %swap3A_158 = tpu.vector_load %arg7[%swap3A_157] {strides = array<i32>} : memref<16384xf32, #tpu.memory_space<vmem>>, vector<16xf32>,
        tpu.vector_store %arg7[%swap3A_157], %mul3A_156 {strides = array<i32>} : memref<16384xf32, #tpu.memory_space<vmem>>, vector<16xf32>,
        %scan3A_159 = arith.constant 6 : i32
        %scan3A_160 = arith.addi %scan3A_54, %scan3A_159 : i32
        %mul3A_161 = arith.constant 1 : i32
        %mul3A_162 = arith.muli %scan3A_160, %mul3A_161 : i32
        %add3A_163 = arith.constant 0 : i32
        %add3A_164 = arith.addi %add3A_163, %mul3A_162 : i32
        %mul3A_165 = arith.constant 16 : i32
        %mul3A_166 = arith.muli %add3A_164, %mul3A_165 : i32
        %get3A_167 = arith.index_cast %mul3A_166 : i32 to index
        %get3A_168 = tpu.vector_load %arg8[%get3A_167] {strides = array<i32>} : memref<4096xi32, #tpu.memory_space<vmem>>, vector<16xi32>,
        %gather3A_169 = tpu.vector_load_idx %arg6[%get3A_168] : memref<100000xf32, #tpu.memory_space<vmem>>[vector<16xi32>], vector<16xf32>,
        %add3A_170 = arith.constant 12288 : i32
        %add3A_171 = arith.addi %add3A_170, %mul3A_166 : i32
        %get3A_172 = arith.index_cast %add3A_171 : i32 to index
        %get3A_173 = tpu.vector_load %arg7[%get3A_172] {strides = array<i32>} : memref<16384xf32, #tpu.memory_space<vmem>>, vector<16xf32>,
        %mul3A_174 = arith.mulf %get3A_173, %gather3A_169 : vector<16xf32>
        %swap3A_175 = arith.index_cast %add3A_171 : i32 to index
        %swap3A_176 = tpu.vector_load %arg7[%swap3A_175] {strides = array<i32>} : memref<16384xf32, #tpu.memory_space<vmem>>, vector<16xf32>,
        tpu.vector_store %arg7[%swap3A_175], %mul3A_174 {strides = array<i32>} : memref<16384xf32, #tpu.memory_space<vmem>>, vector<16xf32>,
        %scan3A_177 = arith.constant 7 : i32
        %scan3A_178 = arith.addi %scan3A_54, %scan3A_177 : i32
        %mul3A_179 = arith.constant 1 : i32
        %mul3A_180 = arith.muli %scan3A_178, %mul3A_179 : i32
        %add3A_181 = arith.constant 0 : i32
        %add3A_182 = arith.addi %add3A_181, %mul3A_180 : i32
        %mul3A_183 = arith.constant 16 : i32
        %mul3A_184 = arith.muli %add3A_182, %mul3A_183 : i32
        %get3A_185 = arith.index_cast %mul3A_184 : i32 to index
        %get3A_186 = tpu.vector_load %arg8[%get3A_185] {strides = array<i32>} : memref<4096xi32, #tpu.memory_space<vmem>>, vector<16xi32>,
        %gather3A_187 = tpu.vector_load_idx %arg6[%get3A_186] : memref<100000xf32, #tpu.memory_space<vmem>>[vector<16xi32>], vector<16xf32>,
        %add3A_188 = arith.constant 12288 : i32
        %add3A_189 = arith.addi %add3A_188, %mul3A_184 : i32
        %get3A_190 = arith.index_cast %add3A_189 : i32 to index
        %get3A_191 = tpu.vector_load %arg7[%get3A_190] {strides = array<i32>} : memref<16384xf32, #tpu.memory_space<vmem>>, vector<16xf32>,
        %mul3A_192 = arith.mulf %get3A_191, %gather3A_187 : vector<16xf32>
        %swap3A_193 = arith.index_cast %add3A_189 : i32 to index
        %swap3A_194 = tpu.vector_load %arg7[%swap3A_193] {strides = array<i32>} : memref<16384xf32, #tpu.memory_space<vmem>>, vector<16xf32>,
        tpu.vector_store %arg7[%swap3A_193], %mul3A_192 {strides = array<i32>} : memref<16384xf32, #tpu.memory_space<vmem>>, vector<16xf32>,
      }
      %scan3A_53 = arith.constant 256 : i32
    }
    %scan3A_28 = arith.constant 25 : i32
    "tpu.region"() ({
      %run_scoped3A_29 = tpu.sem_alloc : memref<!tpu.dma_semaphore, #tpu.memory_space<semaphore_mem>>
      %dma_start3A = arith.constant 0 : i32
      %dma_start3A_30 = tpu.memref_slice %arg5[%add3A, %dma_start3A] : memref<32x16384xf32, #tpu.memory_space<hbm>> -> memref<1x16384xf32, #tpu.memory_space<hbm>>
      %dma_start3A_31 = tpu.memref_squeeze %dma_start3A_30 : memref<1x16384xf32, #tpu.memory_space<hbm>> -> memref<16384xf32, #tpu.memory_space<hbm>>
      %dma_start3A_32 = arith.constant 0 : i32
      %dma_start3A_33 = tpu.memref_slice %arg5[%add3A, %dma_start3A_32] : memref<32x16384xf32, #tpu.memory_space<hbm>> -> memref<1x16384xf32, #tpu.memory_space<hbm>>
      %dma_start3A_34 = tpu.memref_squeeze %dma_start3A_33 : memref<1x16384xf32, #tpu.memory_space<hbm>> -> memref<16384xf32, #tpu.memory_space<hbm>>
      tpu.enqueue_dma source(%arg7 : memref<16384xf32, #tpu.memory_space<vmem>>) target(%dma_start3A_34 : memref<16384xf32, #tpu.memory_space<hbm>>) target_semaphore(%run_scoped3A_29 : memref<!tpu.dma_semaphore, #tpu.memory_space<semaphore_mem>>)
      %dma_wait3A = arith.constant 0 : i32
      %dma_wait3A_35 = tpu.memref_slice %arg5[%add3A, %dma_wait3A] : memref<32x16384xf32, #tpu.memory_space<hbm>> -> memref<1x16384xf32, #tpu.memory_space<hbm>>
      %dma_wait3A_36 = tpu.memref_squeeze %dma_wait3A_35 : memref<1x16384xf32, #tpu.memory_space<hbm>> -> memref<16384xf32, #tpu.memory_space<hbm>>
      %dma_wait3A_37 = arith.constant 0 : i32
      %dma_wait3A_38 = tpu.memref_slice %arg5[%add3A, %dma_wait3A_37] : memref<32x16384xf32, #tpu.memory_space<hbm>> -> memref<1x16384xf32, #tpu.memory_space<hbm>>
      %dma_wait3A_39 = tpu.memref_squeeze %dma_wait3A_38 : memref<1x16384xf32, #tpu.memory_space<hbm>> -> memref<16384xf32, #tpu.memory_space<hbm>>
      tpu.wait_dma2 semaphore(%run_scoped3A_29 : memref<!tpu.dma_semaphore, #tpu.memory_space<semaphore_mem>>) src(%arg7 : memref<16384xf32, #tpu.memory_space<vmem>>) dst(%dma_wait3A_39 : memref<16384xf32, #tpu.memory_space<hbm>>)
      tpu.yield
    }) : () -> ()
    return
  }
}

</mosaic_0001>

<sc_bundles>
// kernel: _cp_partials.3.cloned.1.call-start
scs
__scs_entry_jumppad:
0x0: {  	(pc) =	sbr.rel $0x88, $3  }
0x1: {  	(tag) =	ssettag $0x0;
	lr =	simm.s32 $0x1  }
0x2: {  	[smem:$0x3F9E] =	sst lr;
	_ =	strace $0xD0000000  }
0x3: {  	_ = 	snop  }
0x4: {  	_ = 	snop  }
0x5: {  	_ = 	snop  }
0x6: {  	_ = 	snop  }
0x7: {  	_ = 	snop  }
__scs_overlays_trampoline_lowered:
0x8: {  	[smem:$0x3FAD] =	sst s0  }
0x9: {  	[smem:$0x3FAE] =	sst s1  }
0xa: {  	[smem:$0x3FAF] =	sst s2  }
0xb: {  	[smem:$0x3FB0] =	sst s3  }
0xc: {  	[smem:$0x3FB1] =	sst s4  }
0xd: {  	[smem:$0x3FB2] =	sst s5  }
0xe: {  	[smem:$0x3FB3] =	sst s6  }
0xf: {  	[smem:$0x3FB4] =	sst s7  }
0x10: {  	[smem:$0x3FB5] =	sst s8  }
0x11: {  	[smem:$0x3FB6] =	sst s9;
	s0 =	simm.s32 @!p0 $0x0  }
0x12: {  	s1 =	sld [smem:$0x3F9C];
	s0 =	simm.s32 @p0 $0x1  }
0x13: {  	[smem:$0x3FB7] =	sst s0;
	s0 =	simm.s32 @!p1 $0x0  }
0x14: {  	s2 =	sld [smem:$0x3F9B];
	s0 =	simm.s32 @p1 $0x1  }
0x15: {  	[smem:$0x3FB8] =	sst s0;
	s0 =	simm.s32 @!p2 $0x0  }
0x16: {  	s3 =	sld [smem:$0x3FDB];
	s0 =	simm.s32 @p2 $0x1  }
0x17: {  	s4 =	simm.s32 $0x1BF5;
	[smem:$0x3FBA] =	sst s0  }
0x18: {  	s0 =	sld [smem:$0x3F9D];
	_ =	swait.ge [sflag:s4], $0x0  }
0x19: {  	s7 =	sld [smem:$0x3F9E]  }
0x1a: {  	s8 =	sadd.s32 $0xFFFFE003, lr  }
0x1b: {  	s9 =	sadd.s32 $0xFFFFFEF7, lr;
	s5 =	simm.s32 $0xFFFFFFFF;
	p2 =	slt.u32 s8, $0xFFFFF086  }
0x1c: {  	p1 =	slt.u32 s9, $0xF7A;
	s5 =	simm.s32 @!p2 $0x0  }
0x1d: {  	s5 =	simm.s32 @p1 $0x1;
	p0 =	seq.s32 s7, s2  }
0x1e: {  	s7 =	smul.u32 @!p0 $0xF7A, s2;
	p2 =	seq.s32 @!p0 s5, $0x0  }
0x1f: {  	s9 =	smul.u32 $0xF7A, s1;
	s8 =	simm.s32 @!p0 $0x1BF5;
	p2 =	por !p2, p0  }
0x20: {  	[sflag:s8] =	ssyncset.s32 @!p0 $0xFFFFF086;
	s6 =	sadd.s32 @!p0 s3, s7;
	s7 =	simm.s32 @!p0 $0x108  }
0x21: {  	s3 =	sadd.s32 s3, s9;
	s6 =	sadd.s32 @!p0 $0x88, s6;
	s7 =	simm.s32 @p2 $0x1082  }
0x22: {  	[simem:s7], [sflag:s8] =	dma.local @!p0 [hbm:s6], $0xF7A  }
0x23: {  	s9 =	sor.u32 $0xD0000000, s2;
	s6 =	simm.s32 $0x108;
	_ =	swait.ge @!p0 [sflag:s8], $0x0  }
0x24: {  	s3 =	sadd.s32 $0x88, s3;
	s6 =	simm.s32 @!p1 $0x1082;
	[sflag:s4] =	ssyncset.s32 $0xFFFFF086  }
0x25: {  	[simem:s6], [sflag:s4] =	dma.local [hbm:s3], $0xF7A  }
0x26: {  	[smem:$0x3F9E] =	sst s1;
	(tag) =	ssettag s2;
	_ =	strace s9  }
0x27: {  	s1 =	sld [smem:$0x3FAE]  }
0x28: {  	s2 =	sld [smem:$0x3FAF]  }
0x29: {  	s4 =	sld [smem:$0x3FB1]  }
0x2a: {  	p0 =	seq.s32 s5, $0x0;
	s5 =	sld [smem:$0x3FB2]  }
0x2b: {  	s6 =	sld [smem:$0x3FB3]  }
0x2c: {  	s7 =	sld [smem:$0x3FB4]  }
0x2d: {  	s3 =	simm.s32 $0x108;
	s8 =	sld [smem:$0x3FB5]  }
0x2e: {  	s3 =	simm.s32 @!p0 $0x1082;
	s9 =	sld [smem:$0x3FB6]  }
0x2f: {  	lr =	sadd.s32 s0, s3;
	s0 =	sld [smem:$0x3FAD]  }
0x30: {  	s3 =	sld [smem:$0x3FB0]  }
0x31: {  	[smem:$0x3FB9] =	sst s10  }
0x32: {  	s10 =	sld [smem:$0x3FB7];
	_ =	sdelay $0x3  }
0x33: {  	p0 =	seq.s32 s10, $0x1;
	s10 =	sld [smem:$0x3FB9];
	_ =	sdelay $0x3  }
0x34: {  	[smem:$0x3FB9] =	sst s10  }
0x35: {  	s10 =	sld [smem:$0x3FB8];
	_ =	sdelay $0x3  }
0x36: {  	p1 =	seq.s32 s10, $0x1;
	s10 =	sld [smem:$0x3FB9];
	_ =	sdelay $0x3  }
0x37: {  	[smem:$0x3FB9] =	sst s10  }
0x38: {  	s10 =	sld [smem:$0x3FBA]  }
0x39: {  	_ = 	snop;
	(pc) =	sbr.ind lr, $3  }
0x3a: {  	_ = 	snop  }
0x3b: {  	_ = 	snop  }
0x3c: {  	p2 =	seq.s32 s10, $0x1;
	s10 =	sld [smem:$0x3FB9]  }
0x3d: {  	_ =	shalt  }
0x3e: {  	_ =	shalt  }
0x3f: {  	_ =	shalt  }
0x40: {  	_ =	shalt  }
0x41: {  	_ =	shalt  }
0x42: {  	_ =	shalt  }
0x43: {  	_ =	shalt  }
0x44: {  	_ =	shalt  }
0x45: {  	_ =	shalt  }
0x46: {  	_ =	shalt  }
0x47: {  	_ =	shalt  }
0x48: {  	_ =	shalt  }
0x49: {  	_ =	shalt  }
0x4a: {  	_ =	shalt  }
0x4b: {  	_ =	shalt  }
0x4c: {  	_ =	shalt  }
0x4d: {  	_ =	shalt  }
0x4e: {  	_ =	shalt  }
0x4f: {  	_ =	shalt  }
0x50: {  	_ =	shalt  }
0x51: {  	_ =	shalt  }
0x52: {  	_ =	shalt  }
0x53: {  	_ =	shalt  }
0x54: {  	_ =	shalt  }
0x55: {  	_ =	shalt  }
0x56: {  	_ =	shalt  }
0x57: {  	_ =	shalt  }
0x58: {  	_ =	shalt  }
0x59: {  	_ =	shalt  }
0x5a: {  	_ =	shalt  }
0x5b: {  	_ =	shalt  }
0x5c: {  	_ =	shalt  }
0x5d: {  	_ =	shalt  }
0x5e: {  	_ =	shalt  }
0x5f: {  	_ =	shalt  }
0x60: {  	_ =	shalt  }
0x61: {  	_ =	shalt  }
0x62: {  	_ =	shalt  }
0x63: {  	_ =	shalt  }
0x64: {  	_ =	shalt  }
0x65: {  	_ =	shalt  }
0x66: {  	_ =	shalt  }
0x67: {  	_ =	shalt  }
0x68: {  	_ =	shalt  }
0x69: {  	_ =	shalt  }
0x6a: {  	_ =	shalt  }
0x6b: {  	_ =	shalt  }
0x6c: {  	_ =	shalt  }
0x6d: {  	_ =	shalt  }
0x6e: {  	_ =	shalt  }
0x6f: {  	_ =	shalt  }
0x70: {  	_ =	shalt  }
0x71: {  	_ =	shalt  }
0x72: {  	_ =	shalt  }
0x73: {  	_ =	shalt  }
0x74: {  	_ =	shalt  }
0x75: {  	_ =	shalt  }
0x76: {  	_ =	shalt  }
0x77: {  	_ =	shalt  }
0x78: {  	_ =	shalt  }
0x79: {  	_ =	shalt  }
0x7a: {  	_ =	shalt  }
0x7b: {  	_ =	shalt  }
0x7c: {  	_ =	shalt  }
0x7d: {  	_ =	shalt  }
0x7e: {  	_ =	shalt  }
0x7f: {  	_ =	shalt  }
0x80: {  	_ =	shalt  }
0x81: {  	_ =	shalt  }
0x82: {  	_ =	shalt  }
0x83: {  	_ =	shalt  }
0x84: {  	_ =	shalt  }
0x85: {  	_ =	shalt  }
0x86: {  	_ =	shalt  }
0x87: {  	_ =	shalt  }
.Lfunc_end0:
.L_simem_size_0:
called_computation_lowered:
.L_overlay_start_0:
0x88: {  	s2 =	sld [smem:$0x3FD9]  }
0x89: {  	s3 =	sld [smem:$0x3FFE];
	_ =	sdelay $0x1  }
0x8a: {  	s1 =	srdreg.scid  }
0x8b: {  	s0 =	sand.u32 $0x1, s1  }
0x8c: {  	s18 =	sshll.u32 s0, $0xA;
	s2 =	sadd.s32 s3, s2  }
0x8d: {  	s2 =	sadd.s32 s2, s18  }
0x8e: {  	[smem:$0x3FC5] =	sst s2  }
0x8f: {  	_ = 	snop  }
0x90: {  	s2 =	sld [smem:$0x3FC9]  }
0x91: {  	s19 =	sld [smem:$0x3FC8]  }
0x92: {  	s4 =	sld [smem:$0x3FC7]  }
0x93: {  	s5 =	sld [smem:$0x3FD0];
	(tm) =	ssettm $0x1  }
0x94: {  	s6 =	sld [smem:$0x3FFB];
	_ =	sdelay $0x3  }
0x95: {  	_ =	strace s6  }
0x96: {  	s6 =	sld [smem:$0x3FFC];
	_ =	sdelay $0x3  }
0x97: {  	_ =	strace s6  }
0x98: {  	s6 =	sld [smem:$0x3FFD];
	_ =	sdelay $0x3  }
0x99: {  	_ =	strace s6  }
0x9a: {  	_ =	strace $0x8FFFFFFF  }
0x9b: {  	s20 =	sld [smem:$0x3FDB];
	_ =	sdelay $0x1  }
0x9c: {  	s7 =	simm.s32 $_scs_section_size  }
0x9d: {  	s8 =	simm.s32 $_size__tile_overlayer_lowered;
	s9 =	simm.s32 $_tile_overlayer_lowered  }
0x9e: {  	s23 =	simm.s32 $0x1BFF;
	s22 =	sshll.u32 s9, $0x1;
	s6 =	sadd.s32 s7, s20  }
0x9f: {  	s10 =	simm.s32 $0x0;
	s21 =	sshll.u32 s8, $0x1;
	s8 =	sadd.s32 s22, s6  }
0xa0: {  	[timem:s10], [sflag:s23] =	dma.local [hbm:s8], s21  }
0xa1: {  	_ =	swait.ge [sflag:s23], s21  }
0xa2: {  	s7 =	ssub.s32 $0x0, s21;
	[sflag:s23] =	ssyncset.done $0x0  }
0xa3: {  	[sflag:s23] =	ssyncadd.s32 s7;
	_ =	sdelay $0x1  }
0xa4: {  	s24 =	simm.s32 $0x1B8B  }
0xa5: {  	_ =	swait.ge [sflag:s24], $0x1  }
0xa6: {  	[sflag:s24] =	ssyncset.done $0x0  }
0xa7: {  	s25 =	simm.s32 $0x1B8E;
	[sflag:s24] =	ssyncadd.s32 $0xFFFFFFFF  }
0xa8: {  	s26 =	simm.s32 $execute0_lowered;
	[smem:$0x3FD2] =	sst s25  }
0xa9: {  	s7 =	sshll.u32 s26, $0x1;
	_ =	strace $0x80000046;
	[dreg:$0x1] =	wrdreg $0xFFFFFFFF  }
0xaa: {  	s28 =	simm.s32 $_size_execute0_lowered;
	s6 =	sadd.s32 s6, s7;
	[dreg:$0x0] =	wrdreg $0x0  }
0xab: {  	s7 =	sshll.u32 s28, $0x1;
	[dreg:$0x2] =	wrdreg s6  }
0xac: {  	[dreg:$0x3] =	wrdreg s7  }
0xad: {  	[dreg:$0x4] =	wrdreg $0xC0  }
0xae: {  	_ =	task [dreg:s10], $0x5FFFF  }
0xaf: {  	[dreg:$0x1] =	wrdreg $0xFFFFFFFF  }
0xb0: {  	[dreg:$0x0] =	wrdreg $0x60  }
0xb1: {  	[dreg:$0x2] =	wrdreg s2  }
0xb2: {  	[dreg:$0x3] =	wrdreg s19  }
0xb3: {  	[dreg:$0x4] =	wrdreg s4  }
0xb4: {  	[dreg:$0x5] =	wrdreg s5  }
0xb5: {  	[dreg:$0x6] =	wrdreg $0x9  }
0xb6: {  	_ =	task.clear_ibuf [dreg:s10], $0x7FFFF;
	_ =	strace $0x90000046  }
0xb7: {  	s29 =	simm.s32 $0x9;
	_ =	strace $0x80000048  }
0xb8: {  	_ =	swait.ge [sflag:s29], $0x1  }
0xb9: {  	[sflag:s29] =	ssyncadd.s32 $0xFFFFFFFF  }
0xba: {  	_ =	strace $0x90000048  }
0xbb: {  	_ =	sfence  }
0xbc: {  	s30 =	sld [smem:$0x0];
	_ =	sdelay $0x2  }
0xbd: {  	s31 =	sshll.u32 s1, $0xD;
	s1 =	sshrl.u32 s1, $0x2  }
0xbe: {  	s3 =	sand.u32 $0x4000, s31;
	s1 =	sadd.s32 s1, s30  }
0xbf: {  	s0 =	sor.u32 s3, s0;
	s1 =	sshll.u32 s1, $0x11  }
0xc0: {  	s0 =	sor.u32 s1, s0  }
0xc1: {  	s0 =	sadd.s32 $0x8F2B, s0  }
0xc2: {  	[sflag:s0] =	ssyncadd.remote.s32 $0x1  }
0xc3: {  	_ =	sfence.sel $0xFFFF  }
0xc4: {  	[dreg:$0x0] =	wrdreg $0xFFFFFFFF;
	(pc) =	sbr.abs _section_cstart, $3  }
0xc5: {  	[dreg:$0x1] =	wrdreg $0xFFFFFFFF  }
0xc6: {  	_ =	task.clear_ibuf [dreg:s10], $0x2FFFF;
	_ =	strace $0x9FFFFFFF  }
0xc7: {  	(tm) =	ssettm $0x7FFFFFFF  }
tec
execute0_lowered:
.L_overlay_start_1:
0x0: {  	(tag) =	ssettag $0x1  }
0x1: {  	s0 =	rddreg [dreg:$0x0]  }
0x2: {  	s2 =	rddreg [dreg:$0x1]  }
0x3: {  	s4 =	rddreg [dreg:$0x2]  }
0x4: {  	s1 =	srdreg.scid;
	s11 =	rddreg [dreg:$0x3]  }
0x5: {  	s5 =	simm.s32 $0x0;
	s14 =	simm.s32 $0x1;
	s15 =	simm.s32 $0x80  }
0x6: {  	s16 =	simm.s32 $0x400;
	s18 =	simm.s32 $0x18700;
	s19 =	simm.s32 $0x0  }
0x7: {  	s6 =	sand.u32 $0x1, s1;
	s1 =	stileid.u32;
	[smem:$0x7FF] =	sst s5  }
0x8: {  	s3 =	sshll.u32 s6, $0x4;
	s9 =	sshll.u32 s1, $0x7;
	s10 =	ssub.s32 $0x2, s6  }
0x9: {  	s17 =	sor.u32 s1, s3;
	s3 =	rddreg [dreg:$0x4];
	s9 =	sand.u32 $0x380, s9  }
0xa: {  	_ =	strace $0x80000047;
	s12 =	sshrl.u32 s10, $0x1;
	s7 =	sshrl.u32 s17, $0x3  }
0xb: {  	s12 =	ssub.s32 s10, s12;
	s8 =	smul.u32 $0xC3800, s7;
	s31 =	sshll.u32 s7, $0x11  }
0xc: {  	s10 =	sadd.s32 $0x3000, s0;
	v0 =	vmov s17;
	s17 =	simm.s32 $0x1C700;
	s13 =	sor.u32 s9, s31  }
0xd: {  	s12 =	smax.u32 s12, $0x1;
	s6 =	sor.u32 s9, s8;
	s13 =	sshrl.u32 s13, $0x3  }
0xe: {  	s9 =	sadd.s32 $0x2000, s0;
	s8 =	sshrl.u32 s6, $0x3;
	s11 =	sadd.s32 s11, s13  }
0xf: {  	s13 =	simm.s32 $0x1D700;
	s7 =	sadd.s32 s2, s8;
	s8 =	sadd.s32 $0x1000, s0  }
.LBB2_1:
0x10: {  	[tilespmem:s13], [sflag:$0x1] =	stream.linear.gather [hbm4b:s4+s5], $0x80, $0x38;
	[tilespmem:$0x1D780] =	vst v63  }
0x11: {  	_ =	swait.ge [sflag:s14], $0x80  }
0x12: {  	[sflag:s14] =	ssyncset.done $0x0  }
0x13: {  	[sflag:s14] =	ssyncadd.s32 $0xFFFFFF80  }
0x14: {  	v1 =	vld.idx.msk [tilespmem:v0+s13+$0x0], $0xffff;
	[tilespmem:s5], [sflag:$0x1] =	stream.strided.gather [hbm4b:s7+s15], $0x18700, s16, s15, $0x38  }
0x15: {  	_ =	swait.ge [sflag:s14], $0x18700  }
0x16: {  	[sflag:s14] =	ssyncset.done $0x0  }
0x17: {  	[sflag:s14] =	ssyncadd.s32 $0xFFFE7900  }
0x18: {  	[tilespmem:s17], [sflag:$0x1] =	stream.strided.gather [hbm4b:s0+s15], $0x1000, s16, s15, $0x38;
	[tilespmem:$0x1D780] =	vst v63  }
0x19: {  	_ =	swait.ge [sflag:s14], $0x1000  }
0x1a: {  	s20 =	simm.s32 $0xFFFFFFF8;
	[sflag:s14] =	ssyncset.done $0x0  }
0x1b: {  	s21 =	simm.s32 $0x1C740;
	s22 =	simm.s32 $0x18740;
	[sflag:s14] =	ssyncadd.s32 $0xFFFFF000  }
.LBB2_2:
0x1c: {  	v2 =	vld [tilespmem:s21+$0xFFFFFFC0];
	_ =	sdelay $0x7  }
0x1d: {  	v2 =	vld.idx.msk [tilespmem:v2+s5+$0x0], $0xffff;
	_ =	sdelay $0x4  }
0x1e: {  	v2 =	vmul.f32 v2, v1;
	_ =	sdelay $0x1  }
0x1f: {  	[tilespmem:s22+$0xFFFFFFC0] =	vst v2  }
0x20: {  	v2 =	vld [tilespmem:s21+$0xFFFFFFD0];
	_ =	sdelay $0x7  }
0x21: {  	v2 =	vld.idx.msk [tilespmem:v2+s5+$0x0], $0xffff;
	_ =	sdelay $0x4  }
0x22: {  	v2 =	vmul.f32 v2, v1;
	_ =	sdelay $0x1  }
0x23: {  	[tilespmem:s22+$0xFFFFFFD0] =	vst v2  }
0x24: {  	v2 =	vld [tilespmem:s21+$0xFFFFFFE0];
	_ =	sdelay $0x7  }
0x25: {  	v2 =	vld.idx.msk [tilespmem:v2+s5+$0x0], $0xffff;
	_ =	sdelay $0x4  }
0x26: {  	v2 =	vmul.f32 v2, v1;
	_ =	sdelay $0x1  }
0x27: {  	[tilespmem:s22+$0xFFFFFFE0] =	vst v2  }
0x28: {  	v2 =	vld [tilespmem:s21+$0xFFFFFFF0];
	_ =	sdelay $0x7  }
0x29: {  	v2 =	vld.idx.msk [tilespmem:v2+s5+$0x0], $0xffff;
	_ =	sdelay $0x4  }
0x2a: {  	v2 =	vmul.f32 v2, v1;
	_ =	sdelay $0x1  }
0x2b: {  	[tilespmem:s22+$0xFFFFFFF0] =	vst v2  }
0x2c: {  	v2 =	vld [tilespmem:s21+$0x0];
	_ =	sdelay $0x7  }
0x2d: {  	v2 =	vld.idx.msk [tilespmem:v2+s5+$0x0], $0xffff;
	_ =	sdelay $0x4  }
0x2e: {  	v2 =	vmul.f32 v2, v1;
	_ =	sdelay $0x1  }
0x2f: {  	[tilespmem:s22+$0x0] =	vst v2  }
0x30: {  	v2 =	vld [tilespmem:s21+$0x10];
	_ =	sdelay $0x7  }
0x31: {  	v2 =	vld.idx.msk [tilespmem:v2+s5+$0x0], $0xffff;
	_ =	sdelay $0x4  }
0x32: {  	v2 =	vmul.f32 v2, v1;
	_ =	sdelay $0x1  }
0x33: {  	[tilespmem:s22+$0x10] =	vst v2  }
0x34: {  	v2 =	vld [tilespmem:s21+$0x20];
	_ =	sdelay $0x7  }
0x35: {  	v2 =	vld.idx.msk [tilespmem:v2+s5+$0x0], $0xffff;
	_ =	sdelay $0x4  }
0x36: {  	v2 =	vmul.f32 v2, v1;
	_ =	sdelay $0x1  }
0x37: {  	[tilespmem:s22+$0x20] =	vst v2  }
0x38: {  	v2 =	vld [tilespmem:s21+$0x30];
	_ =	sdelay $0x7  }
0x39: {  	v2 =	vld.idx.msk [tilespmem:v2+s5+$0x0], $0xffff  }
0x3a: {  	s20 =	sadd.s32 $0x8, s20  }
0x3b: {  	p0 =	slt.u32 s20, $0xF8  }
.Ltmp0:
0x3c: {  	_ = 	snop;
	(pc) =	sbr.rel @p0 .LBB2_2-.Ltmp0, $3  }
0x3d: {  	_ = 	snop  }
0x3e: {  	v2 =	vmul.f32 v2, v1;
	_ =	sdelay $0x1  }
0x3f: {  	s21 =	sadd.s32 $0x80, s21;
	[tilespmem:s22+$0x30] =	vst v2;
	s22 =	sadd.s32 $0x80, s22  }
0x40: {  	[tilespmem:s17], [sflag:$0x1] =	stream.strided.gather [hbm4b:s8+s15], $0x1000, s16, s15, $0x38;
	[tilespmem:$0x1D780] =	vst v63  }
0x41: {  	_ =	swait.ge [sflag:s14], $0x1000  }
0x42: {  	s20 =	simm.s32 $0xFFFFFFF8;
	[sflag:s14] =	ssyncset.done $0x0  }
0x43: {  	s21 =	simm.s32 $0x1C740;
	s22 =	simm.s32 $0x19770;
	[sflag:s14] =	ssyncadd.s32 $0xFFFFF000  }
.LBB2_4:
0x44: {  	v2 =	vld [tilespmem:s21+$0xFFFFFFC0];
	_ =	sdelay $0x7  }
0x45: {  	v2 =	vld.idx.msk [tilespmem:v2+s5+$0x0], $0xffff;
	_ =	sdelay $0x4  }
0x46: {  	v2 =	vmul.f32 v2, v1;
	_ =	sdelay $0x1  }
0x47: {  	[tilespmem:s22+$0xFFFFFF90] =	vst v2  }
0x48: {  	v2 =	vld [tilespmem:s21+$0xFFFFFFD0];
	_ =	sdelay $0x7  }
0x49: {  	v2 =	vld.idx.msk [tilespmem:v2+s5+$0x0], $0xffff;
	_ =	sdelay $0x4  }
0x4a: {  	v2 =	vmul.f32 v2, v1;
	_ =	sdelay $0x1  }
0x4b: {  	[tilespmem:s22+$0xFFFFFFA0] =	vst v2  }
0x4c: {  	v2 =	vld [tilespmem:s21+$0xFFFFFFE0];
	_ =	sdelay $0x7  }
0x4d: {  	v2 =	vld.idx.msk [tilespmem:v2+s5+$0x0], $0xffff;
	_ =	sdelay $0x4  }
0x4e: {  	v2 =	vmul.f32 v2, v1;
	_ =	sdelay $0x1  }
0x4f: {  	[tilespmem:s22+$0xFFFFFFB0] =	vst v2  }
0x50: {  	v2 =	vld [tilespmem:s21+$0xFFFFFFF0];
	_ =	sdelay $0x7  }
0x51: {  	v2 =	vld.idx.msk [tilespmem:v2+s5+$0x0], $0xffff;
	_ =	sdelay $0x4  }
0x52: {  	v2 =	vmul.f32 v2, v1;
	_ =	sdelay $0x1  }
0x53: {  	[tilespmem:s22+$0xFFFFFFC0] =	vst v2  }
0x54: {  	v2 =	vld [tilespmem:s21+$0x0];
	_ =	sdelay $0x7  }
0x55: {  	v2 =	vld.idx.msk [tilespmem:v2+s5+$0x0], $0xffff;
	_ =	sdelay $0x4  }
0x56: {  	v2 =	vmul.f32 v2, v1;
	_ =	sdelay $0x1  }
0x57: {  	[tilespmem:s22+$0xFFFFFFD0] =	vst v2  }
0x58: {  	v2 =	vld [tilespmem:s21+$0x10];
	_ =	sdelay $0x7  }
0x59: {  	v2 =	vld.idx.msk [tilespmem:v2+s5+$0x0], $0xffff;
	_ =	sdelay $0x4  }
0x5a: {  	v2 =	vmul.f32 v2, v1;
	_ =	sdelay $0x1  }
0x5b: {  	[tilespmem:s22+$0xFFFFFFE0] =	vst v2  }
0x5c: {  	v2 =	vld [tilespmem:s21+$0x20];
	_ =	sdelay $0x7  }
0x5d: {  	v2 =	vld.idx.msk [tilespmem:v2+s5+$0x0], $0xffff;
	_ =	sdelay $0x4  }
0x5e: {  	v2 =	vmul.f32 v2, v1;
	_ =	sdelay $0x1  }
0x5f: {  	[tilespmem:s22+$0xFFFFFFF0] =	vst v2  }
0x60: {  	v2 =	vld [tilespmem:s21+$0x30];
	_ =	sdelay $0x7  }
0x61: {  	v2 =	vld.idx.msk [tilespmem:v2+s5+$0x0], $0xffff  }
0x62: {  	s20 =	sadd.s32 $0x8, s20  }
0x63: {  	p0 =	slt.u32 s20, $0xF8  }
.Ltmp1:
0x64: {  	_ = 	snop;
	(pc) =	sbr.rel @p0 .LBB2_4-.Ltmp1, $3  }
0x65: {  	_ = 	snop  }
0x66: {  	v2 =	vmul.f32 v2, v1;
	_ =	sdelay $0x1  }
0x67: {  	s21 =	sadd.s32 $0x80, s21;
	[tilespmem:s22+$0x0] =	vst v2;
	s22 =	sadd.s32 $0x80, s22  }
0x68: {  	[tilespmem:s17], [sflag:$0x1] =	stream.strided.gather [hbm4b:s9+s15], $0x1000, s16, s15, $0x38;
	[tilespmem:$0x1D780] =	vst v63  }
0x69: {  	_ =	swait.ge [sflag:s14], $0x1000  }
0x6a: {  	s20 =	simm.s32 $0xFFFFFFF8;
	[sflag:s14] =	ssyncset.done $0x0  }
0x6b: {  	s21 =	simm.s32 $0x1C740;
	s22 =	simm.s32 $0x1A770;
	[sflag:s14] =	ssyncadd.s32 $0xFFFFF000  }
.LBB2_6:
0x6c: {  	v2 =	vld [tilespmem:s21+$0xFFFFFFC0];
	_ =	sdelay $0x7  }
0x6d: {  	v2 =	vld.idx.msk [tilespmem:v2+s5+$0x0], $0xffff;
	_ =	sdelay $0x4  }
0x6e: {  	v2 =	vmul.f32 v2, v1;
	_ =	sdelay $0x1  }
0x6f: {  	[tilespmem:s22+$0xFFFFFF90] =	vst v2  }
0x70: {  	v2 =	vld [tilespmem:s21+$0xFFFFFFD0];
	_ =	sdelay $0x7  }
0x71: {  	v2 =	vld.idx.msk [tilespmem:v2+s5+$0x0], $0xffff;
	_ =	sdelay $0x4  }
0x72: {  	v2 =	vmul.f32 v2, v1;
	_ =	sdelay $0x1  }
0x73: {  	[tilespmem:s22+$0xFFFFFFA0] =	vst v2  }
0x74: {  	v2 =	vld [tilespmem:s21+$0xFFFFFFE0];
	_ =	sdelay $0x7  }
0x75: {  	v2 =	vld.idx.msk [tilespmem:v2+s5+$0x0], $0xffff;
	_ =	sdelay $0x4  }
0x76: {  	v2 =	vmul.f32 v2, v1;
	_ =	sdelay $0x1  }
0x77: {  	[tilespmem:s22+$0xFFFFFFB0] =	vst v2  }
0x78: {  	v2 =	vld [tilespmem:s21+$0xFFFFFFF0];
	_ =	sdelay $0x7  }
0x79: {  	v2 =	vld.idx.msk [tilespmem:v2+s5+$0x0], $0xffff;
	_ =	sdelay $0x4  }
0x7a: {  	v2 =	vmul.f32 v2, v1;
	_ =	sdelay $0x1  }
0x7b: {  	[tilespmem:s22+$0xFFFFFFC0] =	vst v2  }
0x7c: {  	v2 =	vld [tilespmem:s21+$0x0];
	_ =	sdelay $0x7  }
0x7d: {  	v2 =	vld.idx.msk [tilespmem:v2+s5+$0x0], $0xffff;
	_ =	sdelay $0x4  }
0x7e: {  	v2 =	vmul.f32 v2, v1;
	_ =	sdelay $0x1  }
0x7f: {  	[tilespmem:s22+$0xFFFFFFD0] =	vst v2  }
0x80: {  	v2 =	vld [tilespmem:s21+$0x10];
	_ =	sdelay $0x7  }
0x81: {  	v2 =	vld.idx.msk [tilespmem:v2+s5+$0x0], $0xffff;
	_ =	sdelay $0x4  }
0x82: {  	v2 =	vmul.f32 v2, v1;
	_ =	sdelay $0x1  }
0x83: {  	[tilespmem:s22+$0xFFFFFFE0] =	vst v2  }
0x84: {  	v2 =	vld [tilespmem:s21+$0x20];
	_ =	sdelay $0x7  }
0x85: {  	v2 =	vld.idx.msk [tilespmem:v2+s5+$0x0], $0xffff;
	_ =	sdelay $0x4  }
0x86: {  	v2 =	vmul.f32 v2, v1;
	_ =	sdelay $0x1  }
0x87: {  	[tilespmem:s22+$0xFFFFFFF0] =	vst v2  }
0x88: {  	v2 =	vld [tilespmem:s21+$0x30];
	_ =	sdelay $0x7  }
0x89: {  	v2 =	vld.idx.msk [tilespmem:v2+s5+$0x0], $0xffff  }
0x8a: {  	s20 =	sadd.s32 $0x8, s20  }
0x8b: {  	p0 =	slt.u32 s20, $0xF8  }
.Ltmp2:
0x8c: {  	_ = 	snop;
	(pc) =	sbr.rel @p0 .LBB2_6-.Ltmp2, $3  }
0x8d: {  	_ = 	snop  }
0x8e: {  	v2 =	vmul.f32 v2, v1;
	_ =	sdelay $0x1  }
0x8f: {  	s21 =	sadd.s32 $0x80, s21;
	[tilespmem:s22+$0x0] =	vst v2;
	s22 =	sadd.s32 $0x80, s22  }
0x90: {  	[tilespmem:s17], [sflag:$0x1] =	stream.strided.gather [hbm4b:s10+s15], $0x1000, s16, s15, $0x38;
	[tilespmem:$0x1D780] =	vst v63  }
0x91: {  	_ =	swait.ge [sflag:s14], $0x1000  }
0x92: {  	s21 =	simm.s32 $0xFFFFFFF8;
	[sflag:s14] =	ssyncset.done $0x0  }
0x93: {  	s22 =	simm.s32 $0x1C740;
	s23 =	simm.s32 $0x1B770;
	[sflag:s14] =	ssyncadd.s32 $0xFFFFF000  }
.LBB2_8:
0x94: {  	v2 =	vld [tilespmem:s22+$0xFFFFFFC0];
	_ =	sdelay $0x6  }
0x95: {  	s20 =	simm.s32 $0x0  }
0x96: {  	v2 =	vld.idx.msk [tilespmem:v2+s20+$0x0], $0xffff;
	_ =	sdelay $0x4  }
0x97: {  	v2 =	vmul.f32 v2, v1;
	_ =	sdelay $0x1  }
0x98: {  	[tilespmem:s23+$0xFFFFFF90] =	vst v2  }
0x99: {  	v2 =	vld [tilespmem:s22+$0xFFFFFFD0];
	_ =	sdelay $0x7  }
0x9a: {  	v2 =	vld.idx.msk [tilespmem:v2+s20+$0x0], $0xffff;
	_ =	sdelay $0x4  }
0x9b: {  	v2 =	vmul.f32 v2, v1;
	_ =	sdelay $0x1  }
0x9c: {  	[tilespmem:s23+$0xFFFFFFA0] =	vst v2  }
0x9d: {  	v2 =	vld [tilespmem:s22+$0xFFFFFFE0];
	_ =	sdelay $0x7  }
0x9e: {  	v2 =	vld.idx.msk [tilespmem:v2+s20+$0x0], $0xffff;
	_ =	sdelay $0x4  }
0x9f: {  	v2 =	vmul.f32 v2, v1;
	_ =	sdelay $0x1  }
0xa0: {  	[tilespmem:s23+$0xFFFFFFB0] =	vst v2  }
0xa1: {  	v2 =	vld [tilespmem:s22+$0xFFFFFFF0];
	_ =	sdelay $0x7  }
0xa2: {  	v2 =	vld.idx.msk [tilespmem:v2+s20+$0x0], $0xffff;
	_ =	sdelay $0x4  }
0xa3: {  	v2 =	vmul.f32 v2, v1;
	_ =	sdelay $0x1  }
0xa4: {  	[tilespmem:s23+$0xFFFFFFC0] =	vst v2  }
0xa5: {  	v2 =	vld [tilespmem:s22+$0x0];
	_ =	sdelay $0x7  }
0xa6: {  	v2 =	vld.idx.msk [tilespmem:v2+s20+$0x0], $0xffff;
	_ =	sdelay $0x4  }
0xa7: {  	v2 =	vmul.f32 v2, v1;
	_ =	sdelay $0x1  }
0xa8: {  	[tilespmem:s23+$0xFFFFFFD0] =	vst v2  }
0xa9: {  	v2 =	vld [tilespmem:s22+$0x10];
	_ =	sdelay $0x7  }
0xaa: {  	v2 =	vld.idx.msk [tilespmem:v2+s20+$0x0], $0xffff;
	_ =	sdelay $0x4  }
0xab: {  	v2 =	vmul.f32 v2, v1;
	_ =	sdelay $0x1  }
0xac: {  	[tilespmem:s23+$0xFFFFFFE0] =	vst v2  }
0xad: {  	v2 =	vld [tilespmem:s22+$0x20];
	_ =	sdelay $0x7  }
0xae: {  	v2 =	vld.idx.msk [tilespmem:v2+s20+$0x0], $0xffff;
	_ =	sdelay $0x4  }
0xaf: {  	v2 =	vmul.f32 v2, v1;
	_ =	sdelay $0x1  }
0xb0: {  	[tilespmem:s23+$0xFFFFFFF0] =	vst v2  }
0xb1: {  	v2 =	vld [tilespmem:s22+$0x30];
	_ =	sdelay $0x7  }
0xb2: {  	v2 =	vld.idx.msk [tilespmem:v2+s20+$0x0], $0xffff  }
0xb3: {  	s21 =	sadd.s32 $0x8, s21  }
0xb4: {  	p0 =	slt.u32 s21, $0xF8  }
.Ltmp3:
0xb5: {  	_ = 	snop;
	(pc) =	sbr.rel @p0 .LBB2_8-.Ltmp3, $3  }
0xb6: {  	_ = 	snop  }
0xb7: {  	v2 =	vmul.f32 v2, v1;
	_ =	sdelay $0x1  }
0xb8: {  	s22 =	sadd.s32 $0x80, s22;
	[tilespmem:s23+$0x0] =	vst v2;
	s23 =	sadd.s32 $0x80, s23  }
.LBB2_10:
0xb9: {  	s20 =	sadd.s32 $0x1, s20  }
0xba: {  	s21 =	smul.u32 $0x30E000, s20;
	_ =	sdelay $0x1  }
0xbb: {  	s21 =	sadd.s32 s6, s21  }
0xbc: {  	s21 =	sshrl.u32 s21, $0x3  }
0xbd: {  	s31 =	sshll.u32 s20, $0xB;
	s22 =	sshll.u32 s20, $0x4;
	s21 =	sadd.s32 s2, s21  }
0xbe: {  	[tilespmem:s5], [sflag:$0x1] =	stream.strided.gather [hbm4b:s21+s15], $0x18700, s16, s15, $0x38;
	[tilespmem:$0x1D780] =	vst v63  }
0xbf: {  	s22 =	sand.u32 $0x70, s22;
	s21 =	sand.u32 $0x1C000, s31;
	_ =	swait.ge [sflag:s14], $0x18700  }
0xc0: {  	s21 =	sor.u32 s22, s21;
	[sflag:s14] =	ssyncset.done $0x0  }
0xc1: {  	s22 =	sadd.s32 s0, s21;
	[sflag:s14] =	ssyncadd.s32 $0xFFFE7900  }
0xc2: {  	[tilespmem:s17], [sflag:$0x1] =	stream.strided.gather [hbm4b:s22+s15], $0x1000, s16, s15, $0x38;
	[tilespmem:$0x1D780] =	vst v63  }
0xc3: {  	_ =	swait.ge [sflag:s14], $0x1000  }
0xc4: {  	s23 =	simm.s32 $0x1C740;
	[sflag:s14] =	ssyncset.done $0x0  }
0xc5: {  	s24 =	simm.s32 $0x18740;
	s22 =	simm.s32 $0xFFFFFFF8;
	[sflag:s14] =	ssyncadd.s32 $0xFFFFF000  }
.LBB2_11:
0xc6: {  	v1 =	vld [tilespmem:s23+$0xFFFFFFC0];
	_ =	sdelay $0x6  }
0xc7: {  	v2 =	vld [tilespmem:s24+$0xFFFFFFC0]  }
0xc8: {  	v1 =	vld.idx.msk [tilespmem:v1+s5+$0x0], $0xffff;
	_ =	sdelay $0x4  }
0xc9: {  	v1 =	vmul.f32 v2, v1;
	_ =	sdelay $0x1  }
0xca: {  	[tilespmem:s24+$0xFFFFFFC0] =	vst v1  }
0xcb: {  	v1 =	vld [tilespmem:s23+$0xFFFFFFD0];
	_ =	sdelay $0x6  }
0xcc: {  	v2 =	vld [tilespmem:s24+$0xFFFFFFD0]  }
0xcd: {  	v1 =	vld.idx.msk [tilespmem:v1+s5+$0x0], $0xffff;
	_ =	sdelay $0x4  }
0xce: {  	v1 =	vmul.f32 v2, v1;
	_ =	sdelay $0x1  }
0xcf: {  	[tilespmem:s24+$0xFFFFFFD0] =	vst v1  }
0xd0: {  	v1 =	vld [tilespmem:s23+$0xFFFFFFE0];
	_ =	sdelay $0x6  }
0xd1: {  	v2 =	vld [tilespmem:s24+$0xFFFFFFE0]  }
0xd2: {  	v1 =	vld.idx.msk [tilespmem:v1+s5+$0x0], $0xffff;
	_ =	sdelay $0x4  }
0xd3: {  	v1 =	vmul.f32 v2, v1;
	_ =	sdelay $0x1  }
0xd4: {  	[tilespmem:s24+$0xFFFFFFE0] =	vst v1  }
0xd5: {  	v1 =	vld [tilespmem:s23+$0xFFFFFFF0];
	_ =	sdelay $0x6  }
0xd6: {  	v2 =	vld [tilespmem:s24+$0xFFFFFFF0]  }
0xd7: {  	v1 =	vld.idx.msk [tilespmem:v1+s5+$0x0], $0xffff;
	_ =	sdelay $0x4  }
0xd8: {  	v1 =	vmul.f32 v2, v1;
	_ =	sdelay $0x1  }
0xd9: {  	[tilespmem:s24+$0xFFFFFFF0] =	vst v1  }
0xda: {  	v1 =	vld [tilespmem:s23+$0x0];
	_ =	sdelay $0x6  }
0xdb: {  	v2 =	vld [tilespmem:s24+$0x0]  }
0xdc: {  	v1 =	vld.idx.msk [tilespmem:v1+s5+$0x0], $0xffff;
	_ =	sdelay $0x4  }
0xdd: {  	v1 =	vmul.f32 v2, v1;
	_ =	sdelay $0x1  }
0xde: {  	[tilespmem:s24+$0x0] =	vst v1  }
0xdf: {  	v1 =	vld [tilespmem:s23+$0x10];
	_ =	sdelay $0x6  }
0xe0: {  	v2 =	vld [tilespmem:s24+$0x10]  }
0xe1: {  	v1 =	vld.idx.msk [tilespmem:v1+s5+$0x0], $0xffff;
	_ =	sdelay $0x4  }
0xe2: {  	v1 =	vmul.f32 v2, v1;
	_ =	sdelay $0x1  }
0xe3: {  	[tilespmem:s24+$0x10] =	vst v1  }
0xe4: {  	v1 =	vld [tilespmem:s23+$0x20];
	_ =	sdelay $0x6  }
0xe5: {  	v2 =	vld [tilespmem:s24+$0x20]  }
0xe6: {  	v1 =	vld.idx.msk [tilespmem:v1+s5+$0x0], $0xffff;
	_ =	sdelay $0x4  }
0xe7: {  	v1 =	vmul.f32 v2, v1;
	_ =	sdelay $0x1  }
0xe8: {  	[tilespmem:s24+$0x20] =	vst v1  }
0xe9: {  	v1 =	vld [tilespmem:s23+$0x30];
	_ =	sdelay $0x6  }
0xea: {  	v2 =	vld [tilespmem:s24+$0x30]  }
0xeb: {  	v1 =	vld.idx.msk [tilespmem:v1+s5+$0x0], $0xffff  }
0xec: {  	s22 =	sadd.s32 $0x8, s22  }
0xed: {  	p0 =	slt.u32 s22, $0xF8  }
.Ltmp4:
0xee: {  	_ = 	snop;
	(pc) =	sbr.rel @p0 .LBB2_11-.Ltmp4, $3  }
0xef: {  	_ = 	snop  }
0xf0: {  	v1 =	vmul.f32 v2, v1;
	_ =	sdelay $0x1  }
0xf1: {  	s23 =	sadd.s32 $0x80, s23;
	[tilespmem:s24+$0x30] =	vst v1;
	s24 =	sadd.s32 $0x80, s24  }
0xf2: {  	s22 =	sadd.s32 s21, s8  }
0xf3: {  	[tilespmem:s17], [sflag:$0x1] =	stream.strided.gather [hbm4b:s22+s15], $0x1000, s16, s15, $0x38;
	[tilespmem:$0x1D780] =	vst v63  }
0xf4: {  	_ =	swait.ge [sflag:s14], $0x1000  }
0xf5: {  	s23 =	simm.s32 $0x1C740;
	[sflag:s14] =	ssyncset.done $0x0  }
0xf6: {  	s24 =	simm.s32 $0x19770;
	s22 =	simm.s32 $0xFFFFFFF8;
	[sflag:s14] =	ssyncadd.s32 $0xFFFFF000  }
.LBB2_13:
0xf7: {  	v1 =	vld [tilespmem:s23+$0xFFFFFFC0];
	_ =	sdelay $0x6  }
0xf8: {  	v2 =	vld [tilespmem:s24+$0xFFFFFF90]  }
0xf9: {  	v1 =	vld.idx.msk [tilespmem:v1+s5+$0x0], $0xffff;
	_ =	sdelay $0x4  }
0xfa: {  	v1 =	vmul.f32 v2, v1;
	_ =	sdelay $0x1  }
0xfb: {  	[tilespmem:s24+$0xFFFFFF90] =	vst v1  }
0xfc: {  	v1 =	vld [tilespmem:s23+$0xFFFFFFD0];
	_ =	sdelay $0x6  }
0xfd: {  	v2 =	vld [tilespmem:s24+$0xFFFFFFA0]  }
0xfe: {  	v1 =	vld.idx.msk [tilespmem:v1+s5+$0x0], $0xffff;
	_ =	sdelay $0x4  }
0xff: {  	v1 =	vmul.f32 v2, v1;
	_ =	sdelay $0x1  }
0x100: {  	[tilespmem:s24+$0xFFFFFFA0] =	vst v1  }
0x101: {  	v1 =	vld [tilespmem:s23+$0xFFFFFFE0];
	_ =	sdelay $0x6  }
0x102: {  	v2 =	vld [tilespmem:s24+$0xFFFFFFB0]  }
0x103: {  	v1 =	vld.idx.msk [tilespmem:v1+s5+$0x0], $0xffff;
	_ =	sdelay $0x4  }
0x104: {  	v1 =	vmul.f32 v2, v1;
	_ =	sdelay $0x1  }
0x105: {  	[tilespmem:s24+$0xFFFFFFB0] =	vst v1  }
0x106: {  	v1 =	vld [tilespmem:s23+$0xFFFFFFF0];
	_ =	sdelay $0x6  }
0x107: {  	v2 =	vld [tilespmem:s24+$0xFFFFFFC0]  }
0x108: {  	v1 =	vld.idx.msk [tilespmem:v1+s5+$0x0], $0xffff;
	_ =	sdelay $0x4  }
0x109: {  	v1 =	vmul.f32 v2, v1;
	_ =	sdelay $0x1  }
0x10a: {  	[tilespmem:s24+$0xFFFFFFC0] =	vst v1  }
0x10b: {  	v1 =	vld [tilespmem:s23+$0x0];
	_ =	sdelay $0x6  }
0x10c: {  	v2 =	vld [tilespmem:s24+$0xFFFFFFD0]  }
0x10d: {  	v1 =	vld.idx.msk [tilespmem:v1+s5+$0x0], $0xffff;
	_ =	sdelay $0x4  }
0x10e: {  	v1 =	vmul.f32 v2, v1;
	_ =	sdelay $0x1  }
0x10f: {  	[tilespmem:s24+$0xFFFFFFD0] =	vst v1  }
0x110: {  	v1 =	vld [tilespmem:s23+$0x10];
	_ =	sdelay $0x6  }
0x111: {  	v2 =	vld [tilespmem:s24+$0xFFFFFFE0]  }
0x112: {  	v1 =	vld.idx.msk [tilespmem:v1+s5+$0x0], $0xffff;
	_ =	sdelay $0x4  }
0x113: {  	v1 =	vmul.f32 v2, v1;
	_ =	sdelay $0x1  }
0x114: {  	[tilespmem:s24+$0xFFFFFFE0] =	vst v1  }
0x115: {  	v1 =	vld [tilespmem:s23+$0x20];
	_ =	sdelay $0x6  }
0x116: {  	v2 =	vld [tilespmem:s24+$0xFFFFFFF0]  }
0x117: {  	v1 =	vld.idx.msk [tilespmem:v1+s5+$0x0], $0xffff;
	_ =	sdelay $0x4  }
0x118: {  	v1 =	vmul.f32 v2, v1;
	_ =	sdelay $0x1  }
0x119: {  	[tilespmem:s24+$0xFFFFFFF0] =	vst v1  }
0x11a: {  	v1 =	vld [tilespmem:s23+$0x30];
	_ =	sdelay $0x6  }
0x11b: {  	v2 =	vld [tilespmem:s24+$0x0]  }
0x11c: {  	v1 =	vld.idx.msk [tilespmem:v1+s5+$0x0], $0xffff  }
0x11d: {  	s22 =	sadd.s32 $0x8, s22  }
0x11e: {  	p0 =	slt.u32 s22, $0xF8  }
.Ltmp5:
0x11f: {  	_ = 	snop;
	(pc) =	sbr.rel @p0 .LBB2_13-.Ltmp5, $3  }
0x120: {  	_ = 	snop  }
0x121: {  	v1 =	vmul.f32 v2, v1;
	_ =	sdelay $0x1  }
0x122: {  	s23 =	sadd.s32 $0x80, s23;
	[tilespmem:s24+$0x0] =	vst v1;
	s24 =	sadd.s32 $0x80, s24  }
0x123: {  	s22 =	sadd.s32 s21, s9  }
0x124: {  	[tilespmem:s17], [sflag:$0x1] =	stream.strided.gather [hbm4b:s22+s15], $0x1000, s16, s15, $0x38;
	[tilespmem:$0x1D780] =	vst v63  }
0x125: {  	_ =	swait.ge [sflag:s14], $0x1000  }
0x126: {  	s23 =	simm.s32 $0x1C740;
	[sflag:s14] =	ssyncset.done $0x0  }
0x127: {  	s24 =	simm.s32 $0x1A770;
	s22 =	simm.s32 $0xFFFFFFF8;
	[sflag:s14] =	ssyncadd.s32 $0xFFFFF000  }
.LBB2_15:
0x128: {  	v1 =	vld [tilespmem:s23+$0xFFFFFFC0];
	_ =	sdelay $0x6  }
0x129: {  	v2 =	vld [tilespmem:s24+$0xFFFFFF90]  }
0x12a: {  	v1 =	vld.idx.msk [tilespmem:v1+s5+$0x0], $0xffff;
	_ =	sdelay $0x4  }
0x12b: {  	v1 =	vmul.f32 v2, v1;
	_ =	sdelay $0x1  }
0x12c: {  	[tilespmem:s24+$0xFFFFFF90] =	vst v1  }
0x12d: {  	v1 =	vld [tilespmem:s23+$0xFFFFFFD0];
	_ =	sdelay $0x6  }
0x12e: {  	v2 =	vld [tilespmem:s24+$0xFFFFFFA0]  }
0x12f: {  	v1 =	vld.idx.msk [tilespmem:v1+s5+$0x0], $0xffff;
	_ =	sdelay $0x4  }
0x130: {  	v1 =	vmul.f32 v2, v1;
	_ =	sdelay $0x1  }
0x131: {  	[tilespmem:s24+$0xFFFFFFA0] =	vst v1  }
0x132: {  	v1 =	vld [tilespmem:s23+$0xFFFFFFE0];
	_ =	sdelay $0x6  }
0x133: {  	v2 =	vld [tilespmem:s24+$0xFFFFFFB0]  }
0x134: {  	v1 =	vld.idx.msk [tilespmem:v1+s5+$0x0], $0xffff;
	_ =	sdelay $0x4  }
0x135: {  	v1 =	vmul.f32 v2, v1;
	_ =	sdelay $0x1  }
0x136: {  	[tilespmem:s24+$0xFFFFFFB0] =	vst v1  }
0x137: {  	v1 =	vld [tilespmem:s23+$0xFFFFFFF0];
	_ =	sdelay $0x6  }
0x138: {  	v2 =	vld [tilespmem:s24+$0xFFFFFFC0]  }
0x139: {  	v1 =	vld.idx.msk [tilespmem:v1+s5+$0x0], $0xffff;
	_ =	sdelay $0x4  }
0x13a: {  	v1 =	vmul.f32 v2, v1;
	_ =	sdelay $0x1  }
0x13b: {  	[tilespmem:s24+$0xFFFFFFC0] =	vst v1  }
0x13c: {  	v1 =	vld [tilespmem:s23+$0x0];
	_ =	sdelay $0x6  }
0x13d: {  	v2 =	vld [tilespmem:s24+$0xFFFFFFD0]  }
0x13e: {  	v1 =	vld.idx.msk [tilespmem:v1+s5+$0x0], $0xffff;
	_ =	sdelay $0x4  }
0x13f: {  	v1 =	vmul.f32 v2, v1;
	_ =	sdelay $0x1  }
0x140: {  	[tilespmem:s24+$0xFFFFFFD0] =	vst v1  }
0x141: {  	v1 =	vld [tilespmem:s23+$0x10];
	_ =	sdelay $0x6  }
0x142: {  	v2 =	vld [tilespmem:s24+$0xFFFFFFE0]  }
0x143: {  	v1 =	vld.idx.msk [tilespmem:v1+s5+$0x0], $0xffff;
	_ =	sdelay $0x4  }
0x144: {  	v1 =	vmul.f32 v2, v1;
	_ =	sdelay $0x1  }
0x145: {  	[tilespmem:s24+$0xFFFFFFE0] =	vst v1  }
0x146: {  	v1 =	vld [tilespmem:s23+$0x20];
	_ =	sdelay $0x6  }
0x147: {  	v2 =	vld [tilespmem:s24+$0xFFFFFFF0]  }
0x148: {  	v1 =	vld.idx.msk [tilespmem:v1+s5+$0x0], $0xffff;
	_ =	sdelay $0x4  }
0x149: {  	v1 =	vmul.f32 v2, v1;
	_ =	sdelay $0x1  }
0x14a: {  	[tilespmem:s24+$0xFFFFFFF0] =	vst v1  }
0x14b: {  	v1 =	vld [tilespmem:s23+$0x30];
	_ =	sdelay $0x6  }
0x14c: {  	v2 =	vld [tilespmem:s24+$0x0]  }
0x14d: {  	v1 =	vld.idx.msk [tilespmem:v1+s5+$0x0], $0xffff  }
0x14e: {  	s22 =	sadd.s32 $0x8, s22  }
0x14f: {  	p0 =	slt.u32 s22, $0xF8  }
.Ltmp6:
0x150: {  	_ = 	snop;
	(pc) =	sbr.rel @p0 .LBB2_15-.Ltmp6, $3  }
0x151: {  	_ = 	snop  }
0x152: {  	v1 =	vmul.f32 v2, v1;
	_ =	sdelay $0x1  }
0x153: {  	s23 =	sadd.s32 $0x80, s23;
	[tilespmem:s24+$0x0] =	vst v1;
	s24 =	sadd.s32 $0x80, s24  }
0x154: {  	s21 =	sadd.s32 s21, s10  }
0x155: {  	[tilespmem:s17], [sflag:$0x1] =	stream.strided.gather [hbm4b:s21+s15], $0x1000, s16, s15, $0x38;
	[tilespmem:$0x1D780] =	vst v63  }
0x156: {  	_ =	swait.ge [sflag:s14], $0x1000  }
0x157: {  	s22 =	simm.s32 $0x1C740;
	[sflag:s14] =	ssyncset.done $0x0  }
0x158: {  	s23 =	simm.s32 $0x1B770;
	s21 =	simm.s32 $0xFFFFFFF8;
	[sflag:s14] =	ssyncadd.s32 $0xFFFFF000  }
.LBB2_17:
0x159: {  	v1 =	vld [tilespmem:s22+$0xFFFFFFC0];
	_ =	sdelay $0x6  }
0x15a: {  	v2 =	vld [tilespmem:s23+$0xFFFFFF90]  }
0x15b: {  	v1 =	vld.idx.msk [tilespmem:v1+s5+$0x0], $0xffff;
	_ =	sdelay $0x4  }
0x15c: {  	v1 =	vmul.f32 v2, v1;
	_ =	sdelay $0x1  }
0x15d: {  	[tilespmem:s23+$0xFFFFFF90] =	vst v1  }
0x15e: {  	v1 =	vld [tilespmem:s22+$0xFFFFFFD0];
	_ =	sdelay $0x6  }
0x15f: {  	v2 =	vld [tilespmem:s23+$0xFFFFFFA0]  }
0x160: {  	v1 =	vld.idx.msk [tilespmem:v1+s5+$0x0], $0xffff;
	_ =	sdelay $0x4  }
0x161: {  	v1 =	vmul.f32 v2, v1;
	_ =	sdelay $0x1  }
0x162: {  	[tilespmem:s23+$0xFFFFFFA0] =	vst v1  }
0x163: {  	v1 =	vld [tilespmem:s22+$0xFFFFFFE0];
	_ =	sdelay $0x6  }
0x164: {  	v2 =	vld [tilespmem:s23+$0xFFFFFFB0]  }
0x165: {  	v1 =	vld.idx.msk [tilespmem:v1+s5+$0x0], $0xffff;
	_ =	sdelay $0x4  }
0x166: {  	v1 =	vmul.f32 v2, v1;
	_ =	sdelay $0x1  }
0x167: {  	[tilespmem:s23+$0xFFFFFFB0] =	vst v1  }
0x168: {  	v1 =	vld [tilespmem:s22+$0xFFFFFFF0];
	_ =	sdelay $0x6  }
0x169: {  	v2 =	vld [tilespmem:s23+$0xFFFFFFC0]  }
0x16a: {  	v1 =	vld.idx.msk [tilespmem:v1+s5+$0x0], $0xffff;
	_ =	sdelay $0x4  }
0x16b: {  	v1 =	vmul.f32 v2, v1;
	_ =	sdelay $0x1  }
0x16c: {  	[tilespmem:s23+$0xFFFFFFC0] =	vst v1  }
0x16d: {  	v1 =	vld [tilespmem:s22+$0x0];
	_ =	sdelay $0x6  }
0x16e: {  	v2 =	vld [tilespmem:s23+$0xFFFFFFD0]  }
0x16f: {  	v1 =	vld.idx.msk [tilespmem:v1+s5+$0x0], $0xffff;
	_ =	sdelay $0x4  }
0x170: {  	v1 =	vmul.f32 v2, v1;
	_ =	sdelay $0x1  }
0x171: {  	[tilespmem:s23+$0xFFFFFFD0] =	vst v1  }
0x172: {  	v1 =	vld [tilespmem:s22+$0x10];
	_ =	sdelay $0x6  }
0x173: {  	v2 =	vld [tilespmem:s23+$0xFFFFFFE0]  }
0x174: {  	v1 =	vld.idx.msk [tilespmem:v1+s5+$0x0], $0xffff;
	_ =	sdelay $0x4  }
0x175: {  	v1 =	vmul.f32 v2, v1;
	_ =	sdelay $0x1  }
0x176: {  	[tilespmem:s23+$0xFFFFFFE0] =	vst v1  }
0x177: {  	v1 =	vld [tilespmem:s22+$0x20];
	_ =	sdelay $0x6  }
0x178: {  	v2 =	vld [tilespmem:s23+$0xFFFFFFF0]  }
0x179: {  	v1 =	vld.idx.msk [tilespmem:v1+s5+$0x0], $0xffff;
	_ =	sdelay $0x4  }
0x17a: {  	v1 =	vmul.f32 v2, v1;
	_ =	sdelay $0x1  }
0x17b: {  	[tilespmem:s23+$0xFFFFFFF0] =	vst v1  }
0x17c: {  	v1 =	vld [tilespmem:s22+$0x30];
	_ =	sdelay $0x6  }
0x17d: {  	v2 =	vld [tilespmem:s23+$0x0]  }
0x17e: {  	v1 =	vld.idx.msk [tilespmem:v1+s5+$0x0], $0xffff  }
0x17f: {  	s21 =	sadd.s32 $0x8, s21  }
0x180: {  	p0 =	slt.u32 s21, $0xF8  }
.Ltmp7:
0x181: {  	_ = 	snop;
	(pc) =	sbr.rel @p0 .LBB2_17-.Ltmp7, $3  }
0x182: {  	_ = 	snop  }
0x183: {  	v1 =	vmul.f32 v2, v1;
	_ =	sdelay $0x1  }
0x184: {  	s22 =	sadd.s32 $0x80, s22;
	[tilespmem:s23+$0x0] =	vst v1;
	s23 =	sadd.s32 $0x80, s23  }
0x185: {  	p0 =	seq.s32 s20, $0x19  }
.Ltmp8:
0x186: {  	_ = 	snop;
	(pc) =	sbr.rel @!p0 .LBB2_10-.Ltmp8, $1  }
0x187: {  	_ =	sdelay $0x3  }
0x188: {  	s19 =	sadd.s32 $0x1, s19  }
0x189: {  	p0 =	sne.s32 s19, s12  }
.Ltmp9:
0x18a: {  	_ = 	snop;
	(pc) =	sbr.rel @p0 .LBB2_1-.Ltmp9, $4  }
0x18b: {  	[hbm4b:s11+s15] =	stream.strided.scatter [tilespmem:s18], [sflag:$0x1], $0x4000, s16, s15, $0x38;
	[tilespmem:$0x1D780] =	vst v63  }
0x18c: {  	_ =	swait.ge [sflag:s14], $0x4000  }
0x18d: {  	[sflag:s14] =	ssyncset.done $0x0  }
0x18e: {  	[sflag:s14] =	ssyncadd.s32 $0xFFFFC000  }
0x18f: {  	_ =	sfence.sel $0x180000  }
0x190: {  	[bflag:$0x0] =	sbarrier.arrive $0xFFFF  }
0x191: {  	p0 =	sne.s32 s1, $0x0;
	_ =	strace $0x90000047  }
0x192: {  	s0 =	sadd.s32 @!p0 $0x100000, s3;
	[bflag:$0x2] =	sbarrier.arrive $0xFFFF  }
0x193: {  	[sflag:s0] =	ssyncadd.tile.s32 @!p0 $0x1;
	_ =	shalt  }
.Lfunc_end2:
_tile_overlayer_lowered:
.L_overlay_start_2:
0x194: {  	(tag) =	ssettag $0x2  }
0x195: {  	s0 =	rddreg [dreg:$0x0];
	s2 =	stileid.u32  }
0x196: {  	s1 =	rddreg [dreg:$0x1];
	p0 =	sne.s32 s2, $0x0  }
0x197: {  	s3 =	rddreg [dreg:$0x2];
	[bflag:$0x3] =	sbarrier.arrive $0xFFFF;
	s2 =	simm.s32 @!p0 $0x1C01  }
0x198: {  	[timem:s3], [sflag:s2] =	dma.local @!p0 [hbm:s0], s1  }
0x199: {  	s0 =	simm.s32 @!p0 $0x1  }
0x19a: {  	_ =	swait.ge @!p0 [sflag:s0], s1  }
0x19b: {  	s1 =	ssub.s32 @!p0 $0x0, s1;
	[sflag:s0] =	ssyncset.done @!p0 $0x0  }
0x19c: {  	[sflag:s0] =	ssyncadd.s32 @!p0 s1  }
0x19d: {  	[bflag:$0x3] =	sbarrier.arrive $0xFFFF  }
0x19e: {  	_ =	shalt  }

</sc_bundles>
